<compile_context>
chip_gen: v7x
topology: tpu7x:2x2x1
jax: 0.10.2.dev20260603
libtpu: 0.0.44.dev20260713+nightly
codegen_flags: <defaults>
</compile_context>

<pallas_src>
import functools

import jax
import jax.numpy as jnp
import numpy as np
from jax import lax
from jax.experimental import pallas as pl
from jax.experimental.pallas import tpu as pltpu
from jax.experimental.pallas import tpu_sc as plsc

N_NODES = 10000
L_MAX = 3
N_MAX = 8
N_SPECIES = 4
N_PSEUDO = 4
CUTOFF = 4.0
F = 512
FK = 128

EB = 2048
NS_TILES = 16
G = 64
TRASH = N_NODES
ACC_R = 10112
ZR = 640
CROWS = 400


def _sh_channels(xh, yh, zh):
    c1 = 0.4886025119029199
    one = jnp.ones_like(xh)
    return [
        0.28209479177387814 * one,
        c1 * yh, c1 * zh, c1 * xh,
        1.0925484305920792 * xh * yh,
        1.0925484305920792 * yh * zh,
        0.31539156525252005 * (3.0 * zh * zh - 1.0),
        1.0925484305920792 * xh * zh,
        0.5462742152960396 * (xh * xh - yh * yh),
        0.5900435899266435 * yh * (3.0 * xh * xh - yh * yh),
        2.890611442640554 * xh * yh * zh,
        0.4570457994644658 * yh * (5.0 * zh * zh - 1.0),
        0.3731763325901154 * zh * (5.0 * zh * zh - 3.0),
        0.4570457994644658 * xh * (5.0 * zh * zh - 1.0),
        1.445305721320277 * zh * (xh * xh - yh * yh),
        0.5900435899266435 * xh * (xh * xh - 3.0 * yh * yh),
    ]



def _feat_kernel(x_ref, y_ref, z_ref, feat_ref):
    x = x_ref[...].reshape(EB, 1)
    y = y_ref[...].reshape(EB, 1)
    z = z_ref[...].reshape(EB, 1)

    r2 = x * x + y * y + z * z
    r = jnp.sqrt(r2)
    inv = 1.0 / (r + 1e-12)
    xh, yh, zh = x * inv, y * inv, z * inv

    col = lax.broadcasted_iota(jnp.int32, (1, FK), 1)
    lm = col // N_MAX
    n = col % N_MAX

    mu = n.astype(jnp.float32) * (CUTOFF / (N_MAX - 1))
    sigma = CUTOFF / N_MAX
    g = jnp.exp(-((r - mu) ** 2) / (2.0 * sigma * sigma))
    fc = jnp.where(r < CUTOFF, 0.5 * (jnp.cos(np.pi * r / CUTOFF) + 1.0), 0.0)

    chans = _sh_channels(xh, yh, zh)
    sh = jnp.zeros((EB, FK), jnp.float32)
    for k in range(16):
        sh = jnp.where(lm == k, chans[k], sh)

    feat_ref[...] = sh * g * fc


def _stage_a(xs, ys, zs):
    Ep = xs.shape[0]
    nb = Ep // EB
    return pl.pallas_call(
        _feat_kernel,
        grid=(nb,),
        in_specs=[pl.BlockSpec((EB,), lambda i: (i,))] * 3,
        out_specs=pl.BlockSpec((EB, FK), lambda i: (i, 0)),
        out_shape=jax.ShapeDtypeStruct((Ep, FK), jnp.float32),
    )(xs, ys, zs)



def _sc_body(feat_hbm, cen_hbm, sp_hbm, zeros_hbm, a_hbm,
             cen_v, sp_v, l0_v, l1_v, idxg_v, ckey_v, feat_v, acc_sh, sem):
    E = cen_hbm.shape[0]
    ept = E // NS_TILES
    c = lax.axis_index("c")
    w = lax.axis_index("s")
    ebase = w * ept
    lane = lax.iota(jnp.int32, 16)

    pltpu.sync_copy(cen_hbm.at[pl.ds(ebase, ept)], cen_v)
    pltpu.sync_copy(sp_hbm.at[pl.ds(ebase, ept)], sp_v)

    def cls_body(i, offs):
        o0, o1 = offs
        s16 = sp_v[pl.ds(i * 16, 16)]
        idx16 = lane + i * 16
        m0 = s16 == 2 * c
        m1 = s16 == 2 * c + 1
        cs0 = plsc.cumsum(m0.astype(jnp.int32))
        cs1 = plsc.cumsum(m1.astype(jnp.int32))
        plsc.store_scatter(l0_v, [o0 + cs0 - 1], idx16, mask=m0)
        plsc.store_scatter(l1_v, [o1 + cs1 - 1], idx16, mask=m1)
        return (o0 + jnp.sum(m0.astype(jnp.int32)),
                o1 + jnp.sum(m1.astype(jnp.int32)))

    cnt0, cnt1 = lax.fori_loop(0, ept // 16, cls_body,
                               (jnp.int32(0), jnp.int32(0)))

    zrows = ACC_R // NS_TILES
    orows = 624

    def process(l_v, cnt):
        ngroups = (cnt + G - 1) // G

        def grp(g_i, _):
            gb = g_i * G
            for k in range(G // 16):
                pos = gb + k * 16 + lane
                valid = pos < cnt
                li = l_v[pl.ds(gb + k * 16, 16)]
                li = jnp.where(valid, li, 0)
                cv = plsc.load_gather(cen_v, [li])
                ckey_v[pl.ds(k * 16, 16)] = jnp.where(valid, cv, TRASH)
                idxg_v[pl.ds(k * 16, 16)] = jnp.where(valid, li + ebase, 0)
            pltpu.async_copy(feat_hbm.at[idxg_v], feat_v, sem).wait()
            pltpu.sync_copy(feat_v, acc_sh.at[ckey_v], add=True)
            return 0

        lax.fori_loop(0, ngroups, grp, 0)

    for j in range(2):
        plsc.subcore_barrier()
        pltpu.sync_copy(zeros_hbm.at[pl.ds(0, zrows)],
                        acc_sh.at[pl.ds(w * zrows, zrows)])
        plsc.subcore_barrier()
        process(l0_v if j == 0 else l1_v, cnt0 if j == 0 else cnt1)
        plsc.subcore_barrier()
        s_id = 2 * c + j
        pltpu.sync_copy(acc_sh.at[pl.ds(w * orows, orows)],
                        a_hbm.at[pl.ds(s_id * N_NODES + w * orows, orows)])
        rem = N_NODES - NS_TILES * orows
        @pl.when(w == 0)
        def _tail():
            pltpu.sync_copy(
                acc_sh.at[pl.ds(NS_TILES * orows, rem)],
                a_hbm.at[pl.ds(s_id * N_NODES + NS_TILES * orows, rem)])


def _stage_b(feat, cen, sp, zeros):
    mesh = plsc.VectorSubcoreMesh(core_axis_name="c", subcore_axis_name="s")
    lcap = ((cen.shape[0] // NS_TILES + G - 1) // G) * G
    return pl.kernel(
        _sc_body,
        out_type=jax.ShapeDtypeStruct((N_SPECIES * N_NODES, FK), jnp.float32),
        mesh=mesh,
        scratch_types=[
            pltpu.VMEM((cen.shape[0] // NS_TILES,), jnp.int32),
            pltpu.VMEM((cen.shape[0] // NS_TILES,), jnp.int32),
            pltpu.VMEM((lcap,), jnp.int32),
            pltpu.VMEM((lcap,), jnp.int32),
            pltpu.VMEM((G,), jnp.int32),
            pltpu.VMEM((G,), jnp.int32),
            pltpu.VMEM((G, FK), jnp.float32),
            pltpu.VMEM_SHARED((ACC_R, FK), jnp.float32),
            pltpu.SemaphoreType.DMA,
        ],
        compiler_params=pltpu.CompilerParams(needs_layout_passes=False),
    )(feat, cen, sp, zeros)



def _mix_kernel(a_ref, m_ref, out_ref):
    a2 = jnp.concatenate([a_ref[s] for s in range(N_SPECIES)], axis=1)
    out_ref[...] = jnp.dot(a2, m_ref[...], preferred_element_type=jnp.float32)


def _stage_c(a, m):
    nb = N_NODES // CROWS
    return pl.pallas_call(
        _mix_kernel,
        grid=(nb,),
        in_specs=[
            pl.BlockSpec((N_SPECIES, CROWS, FK), lambda i: (0, i, 0)),
            pl.BlockSpec((F, F), lambda i: (0, 0)),
        ],
        out_specs=pl.BlockSpec((CROWS, F), lambda i: (i, 0)),
        out_shape=jax.ShapeDtypeStruct((N_NODES, F), jnp.float32),
    )(a, m)


@jax.jit
def kernel(vectors, centers, neighbor_species, W):
    E = vectors.shape[0]
    Ep = ((E + EB - 1) // EB) * EB
    pad = Ep - E
    xs = jnp.pad(vectors[:, 0], (0, pad))
    ys = jnp.pad(vectors[:, 1], (0, pad))
    zs = jnp.pad(vectors[:, 2], (0, pad))
    cen = centers.astype(jnp.int32)
    sp = neighbor_species.astype(jnp.int32)

    feat = _stage_a(xs, ys, zs)

    zeros = jnp.zeros((ZR, FK), jnp.float32)
    a = _stage_b(feat, cen, sp, zeros)

    m = jnp.einsum("ps,lL,nN->slnLpN", W.astype(jnp.float32),
                   jnp.eye(16, dtype=jnp.float32),
                   jnp.eye(8, dtype=jnp.float32)).reshape(F, F)

    return _stage_c(a.reshape(N_SPECIES, N_NODES, FK), m)

# --- scband reference (transcript-rebuilt; emitter-appended) ---
"""Pipeline reference for scband-spherical-expansion-35785667510996 (READ-ONLY COPY).

The authoritative reference and input builder live on the scoring server;
editing this copy changes nothing except your own understanding.
"""

import jax, jax.numpy as jnp
import numpy as np

N_NODES = 10000
E = 160000
L_MAX = 3
N_MAX = 8
N_SPECIES = 4
N_PSEUDO = 4
CUTOFF = 4.0


def setup_inputs(seed: int = 0) -> dict:
    key = jax.random.key(seed)
    k1, k2, k3, k4 = jax.random.split(key, 4)
    vectors = jax.random.normal(k1, (E, 3), dtype=jnp.float32)
    centers = jax.random.randint(k2, (E,), 0, N_NODES)
    neighbor_species = jax.random.randint(k3, (E,), 0, N_SPECIES)
    W = jax.random.normal(k4, (N_PSEUDO, N_SPECIES), dtype=jnp.float32) * (1.0 / np.sqrt(N_SPECIES))
    return {"vectors": vectors, "centers": centers, "neighbor_species": neighbor_species, "W": W}


def _radial_basis(r):
    # Gaussian radial basis with smooth cosine cutoff (shared across l channels)
    mu = jnp.linspace(0.0, CUTOFF, N_MAX).astype(r.dtype)
    sigma = CUTOFF / N_MAX
    g = jnp.exp(-((r[:, None] - mu[None, :]) ** 2) / (2.0 * sigma * sigma))
    fc = jnp.where(r < CUTOFF, 0.5 * (jnp.cos(np.pi * r / CUTOFF) + 1.0), 0.0)
    return g * fc[:, None]  # [E, N_MAX]


def _spherical_harmonics(v, r):
    eps = 1e-12
    xh = v[:, 0] / (r + eps)
    yh = v[:, 1] / (r + eps)
    zh = v[:, 2] / (r + eps)
    sh0 = jnp.full_like(r, 0.28209479177387814)[:, None]
    c1 = 0.4886025119029199
    sh1 = jnp.stack([c1 * yh, c1 * zh, c1 * xh], axis=1)
    sh2 = jnp.stack([
        1.0925484305920792 * xh * yh,
        1.0925484305920792 * yh * zh,
        0.31539156525252005 * (3.0 * zh * zh - 1.0),
        1.0925484305920792 * xh * zh,
        0.5462742152960396 * (xh * xh - yh * yh),
    ], axis=1)
    sh3 = jnp.stack([
        0.5900435899266435 * yh * (3.0 * xh * xh - yh * yh),
        2.890611442640554 * xh * yh * zh,
        0.4570457994644658 * yh * (5.0 * zh * zh - 1.0),
        0.3731763325901154 * zh * (5.0 * zh * zh - 3.0),
        0.4570457994644658 * xh * (5.0 * zh * zh - 1.0),
        1.445305721320277 * zh * (xh * xh - yh * yh),
        0.5900435899266435 * xh * (xh * xh - 3.0 * yh * yh),
    ], axis=1)
    return [sh0, sh1, sh2, sh3]


def reference(vectors, centers, neighbor_species, W):
    # VectorExpansion: r, radial basis per l, spherical harmonics per l
    r = jnp.sqrt(jnp.sum(vectors ** 2, axis=-1))
    rb = _radial_basis(r)                    # [E, N_MAX]
    sh = _spherical_harmonics(vectors, r)    # list of [E, 2l+1]
    # alchemical pseudo-species weights: one_hot(species_neighbor) @ combination_matrix.T
    one_hot = jax.nn.one_hot(neighbor_species, N_SPECIES, dtype=vectors.dtype)
    pseudo_w = one_hot @ W.T                 # [E, N_PSEUDO]
    outs = []
    for l in range(L_MAX + 1):
        # vector_expansion_l = radial_basis_l.unsqueeze(1) * sh_l.unsqueeze(2)
        ve_l = sh[l][:, :, None] * rb[:, None, :]           # [E, 2l+1, N_MAX]
        ve_pseudo = jnp.einsum('abc,ad->abcd', ve_l, pseudo_w)  # [E, 2l+1, N_MAX, N_PSEUDO]
        dens_l = jax.ops.segment_sum(ve_pseudo, centers, num_segments=N_NODES)
        # reshape -> swapaxes(2,3) -> flatten, matching torch reference
        dens_l = jnp.swapaxes(dens_l, 2, 3).reshape(N_NODES, (2 * l + 1) * N_PSEUDO * N_MAX)
        outs.append(dens_l)
    return jnp.concatenate(outs, axis=1)  # [N_NODES, 512]

if __name__ == "__main__":
    import jax
    _d = setup_inputs()
    print(jax.jit(kernel)(*tuple(_d.values())))

</pallas_src>

<mosaic_0001>
#map = affine_map<(d0, d1) -> (0, 0)>
#map1 = affine_map<(d0, d1) -> (0)>
module attributes {stable_mosaic.version = 14 : i64} {
  func.func @_sc_body(%arg0: i32, %arg1: i32, %arg2: memref<161792x128xf32, #tpu.memory_space<hbm>>, %arg3: memref<160000xi32, #tpu.memory_space<hbm>>, %arg4: memref<160000xi32, #tpu.memory_space<hbm>>, %arg5: memref<640x128xf32, #tpu.memory_space<hbm>>, %arg6: memref<40000x128xf32, #tpu.memory_space<hbm>>, %arg7: memref<10000xi32, #tpu.memory_space<vmem>>, %arg8: memref<10000xi32, #tpu.memory_space<vmem>>, %arg9: memref<10048xi32, #tpu.memory_space<vmem>>, %arg10: memref<10048xi32, #tpu.memory_space<vmem>>, %arg11: memref<64xi32, #tpu.memory_space<vmem>>, %arg12: memref<64xi32, #tpu.memory_space<vmem>>, %arg13: memref<64x128xf32, #tpu.memory_space<vmem>>, %arg14: memref<10112x128xf32, #tpu.memory_space<vmem_shared>>, %arg15: memref<!tpu.dma_semaphore, #tpu.memory_space<semaphore_mem>>) attributes {dimension_semantics = [#tpu.dimension_semantics<core_parallel>, #tpu.dimension_semantics<subcore_parallel>], iteration_bounds = array<i64: 2, 16>, scalar_prefetch = 0 : i64, scratch_operands = 9 : i64, tpu.core_type = #tpu.core_type<sc_vector_subcore>, window_params = [{transform_indices = #map}, {transform_indices = #map1}, {transform_indices = #map1}, {transform_indices = #map}, {transform_indices = #map}]} {
    %mul3A = arith.constant 10000 : i32
    %mul3A_0 = arith.muli %arg1, %mul3A : i32
    %iota3A = tpu.iota {dimensions = array<i32: 0>} : vector<16xi32>
    "tpu.region"() ({
      %run_scoped3A = tpu.sem_alloc : memref<!tpu.dma_semaphore, #tpu.memory_space<semaphore_mem>>
      %dma_start3A = tpu.memref_slice %arg3[%mul3A_0] : memref<160000xi32, #tpu.memory_space<hbm>> -> memref<10000xi32, #tpu.memory_space<hbm>>
      %dma_start3A_116 = tpu.memref_slice %arg3[%mul3A_0] : memref<160000xi32, #tpu.memory_space<hbm>> -> memref<10000xi32, #tpu.memory_space<hbm>>
      tpu.enqueue_dma source(%dma_start3A_116 : memref<10000xi32, #tpu.memory_space<hbm>>) target(%arg7 : memref<10000xi32, #tpu.memory_space<vmem>>) target_semaphore(%run_scoped3A : memref<!tpu.dma_semaphore, #tpu.memory_space<semaphore_mem>>)
      %dma_wait3A = tpu.memref_slice %arg3[%mul3A_0] : memref<160000xi32, #tpu.memory_space<hbm>> -> memref<10000xi32, #tpu.memory_space<hbm>>
      %dma_wait3A_117 = tpu.memref_slice %arg3[%mul3A_0] : memref<160000xi32, #tpu.memory_space<hbm>> -> memref<10000xi32, #tpu.memory_space<hbm>>
      tpu.wait_dma2 semaphore(%run_scoped3A : memref<!tpu.dma_semaphore, #tpu.memory_space<semaphore_mem>>) src(%dma_wait3A_117 : memref<10000xi32, #tpu.memory_space<hbm>>) dst(%arg7 : memref<10000xi32, #tpu.memory_space<vmem>>)
      tpu.yield
    }) : () -> ()
    "tpu.region"() ({
      %run_scoped3A = tpu.sem_alloc : memref<!tpu.dma_semaphore, #tpu.memory_space<semaphore_mem>>
      %dma_start3A = tpu.memref_slice %arg4[%mul3A_0] : memref<160000xi32, #tpu.memory_space<hbm>> -> memref<10000xi32, #tpu.memory_space<hbm>>
      %dma_start3A_116 = tpu.memref_slice %arg4[%mul3A_0] : memref<160000xi32, #tpu.memory_space<hbm>> -> memref<10000xi32, #tpu.memory_space<hbm>>
      tpu.enqueue_dma source(%dma_start3A_116 : memref<10000xi32, #tpu.memory_space<hbm>>) target(%arg8 : memref<10000xi32, #tpu.memory_space<vmem>>) target_semaphore(%run_scoped3A : memref<!tpu.dma_semaphore, #tpu.memory_space<semaphore_mem>>)
      %dma_wait3A = tpu.memref_slice %arg4[%mul3A_0] : memref<160000xi32, #tpu.memory_space<hbm>> -> memref<10000xi32, #tpu.memory_space<hbm>>
      %dma_wait3A_117 = tpu.memref_slice %arg4[%mul3A_0] : memref<160000xi32, #tpu.memory_space<hbm>> -> memref<10000xi32, #tpu.memory_space<hbm>>
      tpu.wait_dma2 semaphore(%run_scoped3A : memref<!tpu.dma_semaphore, #tpu.memory_space<semaphore_mem>>) src(%dma_wait3A_117 : memref<10000xi32, #tpu.memory_space<hbm>>) dst(%arg8 : memref<10000xi32, #tpu.memory_space<vmem>>)
      tpu.yield
    }) : () -> ()
    %scan3A = arith.constant 0 : i32
    %scan3A_1 = arith.constant 0 : i32
    %scan3A_2 = arith.constant 0 : i32
    %scan3A_3 = arith.constant 625 : i32
    %scan3A_4 = arith.addi %scan3A_2, %scan3A_3 : i32
    %scan3A_5 = arith.constant 1 : i32
    %scan3A_6:2 = scf.for %scan3A_116 = %scan3A_2 to %scan3A_4 step %scan3A_5 iter_args(%scan3A_117 = %scan3A, %scan3A_118 = %scan3A_1) -> (i32, i32)  : i32 {
      %mul3A_119 = arith.constant 16 : i32
      %mul3A_120 = arith.muli %scan3A_116, %mul3A_119 : i32
      %get3A = arith.index_cast %mul3A_120 : i32 to index
      %get3A_121 = tpu.vector_load %arg8[%get3A] {strides = array<i32>} : memref<10000xi32, #tpu.memory_space<vmem>>, vector<16xi32>,
      %mul3A_122 = arith.constant 16 : i32
      %mul3A_123 = arith.muli %scan3A_116, %mul3A_122 : i32
      %add3A_124 = vector.broadcast %mul3A_123 : i32 to vector<16xi32>
      %add3A_125 = arith.addi %iota3A, %add3A_124 : vector<16xi32>
      %mul3A_126 = arith.constant 2 : i32
      %mul3A_127 = arith.muli %mul3A_126, %arg0 : i32
      %eq3A_128 = vector.broadcast %mul3A_127 : i32 to vector<16xi32>
      %eq3A_129 = arith.cmpi eq, %get3A_121, %eq3A_128 : vector<16xi32>
      %mul3A_130 = arith.constant 2 : i32
      %mul3A_131 = arith.muli %mul3A_130, %arg0 : i32
      %add3A_132 = arith.constant 1 : i32
      %add3A_133 = arith.addi %mul3A_131, %add3A_132 : i32
      %eq3A_134 = vector.broadcast %add3A_133 : i32 to vector<16xi32>
      %eq3A_135 = arith.cmpi eq, %get3A_121, %eq3A_134 : vector<16xi32>
      %convert_element_type3A_136 = arith.extui %eq3A_129 : vector<16xi1> to vector<16xi32>
      %broadcast_in_dim3A = arith.constant true
      %broadcast_in_dim3A_137 = vector.broadcast %broadcast_in_dim3A : i1 to vector<16xi1>
      %masked_cumsum3A = tpu.scan <sum>, %convert_element_type3A_136 masked %broadcast_in_dim3A_137 : vector<16xi32>, vector<16xi1> -> vector<16xi32>
      %convert_element_type3A_138 = arith.extui %eq3A_135 : vector<16xi1> to vector<16xi32>
      %broadcast_in_dim3A_139 = arith.constant true
      %broadcast_in_dim3A_140 = vector.broadcast %broadcast_in_dim3A_139 : i1 to vector<16xi1>
      %masked_cumsum3A_141 = tpu.scan <sum>, %convert_element_type3A_138 masked %broadcast_in_dim3A_140 : vector<16xi32>, vector<16xi1> -> vector<16xi32>
      %add3A_142 = vector.broadcast %scan3A_117 : i32 to vector<16xi32>
      %add3A_143 = arith.addi %add3A_142, %masked_cumsum3A : vector<16xi32>
      %sub3A_144 = arith.constant 1 : i32
      %sub3A_145 = vector.broadcast %sub3A_144 : i32 to vector<16xi32>
      %sub3A_146 = arith.subi %add3A_143, %sub3A_145 : vector<16xi32>
      tpu.vector_store_idx %arg9[%sub3A_146], %add3A_125 masked %eq3A_129 : memref<10048xi32, #tpu.memory_space<vmem>>[vector<16xi32>], vector<16xi32>, vector<16xi1>
      %add3A_147 = vector.broadcast %scan3A_118 : i32 to vector<16xi32>
      %add3A_148 = arith.addi %add3A_147, %masked_cumsum3A_141 : vector<16xi32>
      %sub3A_149 = arith.constant 1 : i32
      %sub3A_150 = vector.broadcast %sub3A_149 : i32 to vector<16xi32>
      %sub3A_151 = arith.subi %add3A_148, %sub3A_150 : vector<16xi32>
      tpu.vector_store_idx %arg10[%sub3A_151], %add3A_125 masked %eq3A_135 : memref<10048xi32, #tpu.memory_space<vmem>>[vector<16xi32>], vector<16xi32>, vector<16xi1>
      %convert_element_type3A_152 = arith.extui %eq3A_129 : vector<16xi1> to vector<16xi32>
      %reduce_sum3A = arith.constant true
      %reduce_sum3A_153 = vector.broadcast %reduce_sum3A : i1 to vector<16xi1>
      %reduce_sum3A_154 = tpu.scan <sum>, %convert_element_type3A_152 masked %reduce_sum3A_153 : vector<16xi32>, vector<16xi1> -> vector<16xi32>
      %reduce_sum3A_155 = vector.extract %reduce_sum3A_154[15] : i32 from vector<16xi32>
      %add3A_156 = arith.addi %scan3A_117, %reduce_sum3A_155 : i32
      %convert_element_type3A_157 = arith.extui %eq3A_135 : vector<16xi1> to vector<16xi32>
      %reduce_sum3A_158 = arith.constant true
      %reduce_sum3A_159 = vector.broadcast %reduce_sum3A_158 : i1 to vector<16xi1>
      %reduce_sum3A_160 = tpu.scan <sum>, %convert_element_type3A_157 masked %reduce_sum3A_159 : vector<16xi32>, vector<16xi1> -> vector<16xi32>
      %reduce_sum3A_161 = vector.extract %reduce_sum3A_160[15] : i32 from vector<16xi32>
      %add3A_162 = arith.addi %scan3A_118, %reduce_sum3A_161 : i32
      scf.yield %add3A_156, %add3A_162 : i32, i32
    }
    %scan3A_7 = arith.constant 625 : i32
    %barrier3A = arith.constant 0 : index
    tpu.barrier barrier_id(%barrier3A)
    %mul3A_8 = arith.constant 632 : i32
    %mul3A_9 = arith.muli %arg1, %mul3A_8 : i32
    "tpu.region"() ({
      %run_scoped3A = tpu.sem_alloc : memref<!tpu.dma_semaphore, #tpu.memory_space<semaphore_mem>>
      %dma_start3A = arith.constant 0 : i32
      %dma_start3A_116 = tpu.memref_slice %arg14[%mul3A_9, %dma_start3A] : memref<10112x128xf32, #tpu.memory_space<vmem_shared>> -> memref<632x128xf32, #tpu.memory_space<vmem_shared>>
      %dma_start3A_117 = arith.constant 0 : i32
      %dma_start3A_118 = arith.constant 0 : i32
      %dma_start3A_119 = tpu.memref_slice %arg5[%dma_start3A_117, %dma_start3A_118] : memref<640x128xf32, #tpu.memory_space<hbm>> -> memref<632x128xf32, #tpu.memory_space<hbm>>
      tpu.enqueue_dma source(%dma_start3A_119 : memref<632x128xf32, #tpu.memory_space<hbm>>) target(%dma_start3A_116 : memref<632x128xf32, #tpu.memory_space<vmem_shared>>) target_semaphore(%run_scoped3A : memref<!tpu.dma_semaphore, #tpu.memory_space<semaphore_mem>>)
      %dma_wait3A = arith.constant 0 : i32
      %dma_wait3A_120 = tpu.memref_slice %arg14[%mul3A_9, %dma_wait3A] : memref<10112x128xf32, #tpu.memory_space<vmem_shared>> -> memref<632x128xf32, #tpu.memory_space<vmem_shared>>
      %dma_wait3A_121 = arith.constant 0 : i32
      %dma_wait3A_122 = arith.constant 0 : i32
      %dma_wait3A_123 = tpu.memref_slice %arg5[%dma_wait3A_121, %dma_wait3A_122] : memref<640x128xf32, #tpu.memory_space<hbm>> -> memref<632x128xf32, #tpu.memory_space<hbm>>
      tpu.wait_dma2 semaphore(%run_scoped3A : memref<!tpu.dma_semaphore, #tpu.memory_space<semaphore_mem>>) src(%dma_wait3A_123 : memref<632x128xf32, #tpu.memory_space<hbm>>) dst(%dma_wait3A_120 : memref<632x128xf32, #tpu.memory_space<vmem_shared>>)
      tpu.yield
    }) : () -> ()
    %barrier3A_10 = arith.constant 0 : index
    tpu.barrier barrier_id(%barrier3A_10)
    %add3A = arith.constant 64 : i32
    %add3A_11 = arith.addi %scan3A_6#0, %add3A : i32
    %sub3A = arith.constant 1 : i32
    %sub3A_12 = arith.subi %add3A_11, %sub3A : i32
    %jit3A = arith.constant 64 : i32
    %div3A = arith.divsi %sub3A_12, %jit3A : i32
    %sign3A = arith.constant 0 : i32
    %sign3A_13 = arith.cmpi sgt, %sub3A_12, %sign3A : i32
    %sign3A_14 = arith.extui %sign3A_13 : i1 to i32
    %sign3A_15 = arith.constant 0 : i32
    %sign3A_16 = arith.cmpi slt, %sub3A_12, %sign3A_15 : i32
    %sign3A_17 = arith.extui %sign3A_16 : i1 to i32
    %sign3A_18 = arith.subi %sign3A_14, %sign3A_17 : i32
    %sign3A_19 = arith.constant 0 : i32
    %sign3A_20 = arith.cmpi sgt, %jit3A, %sign3A_19 : i32
    %sign3A_21 = arith.extui %sign3A_20 : i1 to i32
    %sign3A_22 = arith.constant 0 : i32
    %sign3A_23 = arith.cmpi slt, %jit3A, %sign3A_22 : i32
    %sign3A_24 = arith.extui %sign3A_23 : i1 to i32
    %sign3A_25 = arith.subi %sign3A_21, %sign3A_24 : i32
    %ne3A = arith.cmpi ne, %sign3A_18, %sign3A_25 : i32
    %rem3A = arith.remsi %sub3A_12, %jit3A : i32
    %ne3A_26 = arith.constant 0 : i32
    %ne3A_27 = arith.cmpi ne, %rem3A, %ne3A_26 : i32
    %and3A = arith.andi %ne3A, %ne3A_27 : i1
    %sub3A_28 = arith.constant 1 : i32
    %sub3A_29 = arith.subi %div3A, %sub3A_28 : i32
    %select_n3A = arith.select %and3A, %sub3A_29, %div3A : i32
    %while3A = arith.constant 0 : i32
    %while3A_30 = arith.constant 0 : i32
    %while3A_31 = arith.subi %select_n3A, %while3A : i32
    %while3A_32 = arith.addi %while3A, %while3A_31 : i32
    %while3A_33 = arith.constant 1 : i32
    %while3A_34 = arith.divsi %while3A_31, %while3A_33 : i32
    %while3A_35 = arith.muli %while3A_34, %while3A_33 : i32
    %while3A_36 = arith.addi %while3A, %while3A_35 : i32
    %while3A_37 = arith.constant 1 : i32
    %while3A_38 = scf.for %while3A_116 = %while3A to %while3A_36 step %while3A_37 iter_args(%while3A_117 = %while3A_30) -> (i32)  : i32 {
      %mul3A_118 = arith.constant 64 : i32
      %mul3A_119 = arith.muli %while3A_116, %mul3A_118 : i32
      %add3A_120 = arith.constant 0 : i32
      %add3A_121 = arith.addi %mul3A_119, %add3A_120 : i32
      %add3A_122 = vector.broadcast %add3A_121 : i32 to vector<16xi32>
      %add3A_123 = arith.addi %add3A_122, %iota3A : vector<16xi32>
      %lt3A = vector.broadcast %scan3A_6#0 : i32 to vector<16xi32>
      %lt3A_124 = arith.cmpi slt, %add3A_123, %lt3A : vector<16xi32>
      %add3A_125 = arith.constant 0 : i32
      %add3A_126 = arith.addi %mul3A_119, %add3A_125 : i32
      %get3A = arith.index_cast %add3A_126 : i32 to index
      %get3A_127 = tpu.vector_load %arg9[%get3A] {strides = array<i32>} : memref<10048xi32, #tpu.memory_space<vmem>>, vector<16xi32>,
      %jit3A_128 = arith.constant 0 : i32
      %broadcast_in_dim3A = vector.broadcast %jit3A_128 : i32 to vector<16xi32>
      %select_n3A_129 = arith.select %lt3A_124, %get3A_127, %broadcast_in_dim3A : vector<16xi1>, vector<16xi32>
      %gather3A = tpu.vector_load_idx %arg7[%select_n3A_129] : memref<10000xi32, #tpu.memory_space<vmem>>[vector<16xi32>], vector<16xi32>,
      %jit3A_130 = arith.constant 10000 : i32
      %broadcast_in_dim3A_131 = vector.broadcast %jit3A_130 : i32 to vector<16xi32>
      %select_n3A_132 = arith.select %lt3A_124, %gather3A, %broadcast_in_dim3A_131 : vector<16xi1>, vector<16xi32>
      %swap3A = arith.constant 0 : index
      %swap3A_133 = tpu.vector_load %arg12[%swap3A] {strides = array<i32>} : memref<64xi32, #tpu.memory_space<vmem>>, vector<16xi32>,
      tpu.vector_store %arg12[%swap3A], %select_n3A_132 {strides = array<i32>} : memref<64xi32, #tpu.memory_space<vmem>>, vector<16xi32>,
      %add3A_134 = vector.broadcast %mul3A_0 : i32 to vector<16xi32>
      %add3A_135 = arith.addi %select_n3A_129, %add3A_134 : vector<16xi32>
      %jit3A_136 = arith.constant 0 : i32
      %broadcast_in_dim3A_137 = vector.broadcast %jit3A_136 : i32 to vector<16xi32>
      %select_n3A_138 = arith.select %lt3A_124, %add3A_135, %broadcast_in_dim3A_137 : vector<16xi1>, vector<16xi32>
      %swap3A_139 = arith.constant 0 : index
      %swap3A_140 = tpu.vector_load %arg11[%swap3A_139] {strides = array<i32>} : memref<64xi32, #tpu.memory_space<vmem>>, vector<16xi32>,
      tpu.vector_store %arg11[%swap3A_139], %select_n3A_138 {strides = array<i32>} : memref<64xi32, #tpu.memory_space<vmem>>, vector<16xi32>,
      %add3A_141 = arith.constant 16 : i32
      %add3A_142 = arith.addi %mul3A_119, %add3A_141 : i32
      %add3A_143 = vector.broadcast %add3A_142 : i32 to vector<16xi32>
      %add3A_144 = arith.addi %add3A_143, %iota3A : vector<16xi32>
      %lt3A_145 = vector.broadcast %scan3A_6#0 : i32 to vector<16xi32>
      %lt3A_146 = arith.cmpi slt, %add3A_144, %lt3A_145 : vector<16xi32>
      %add3A_147 = arith.constant 16 : i32
      %add3A_148 = arith.addi %mul3A_119, %add3A_147 : i32
      %get3A_149 = arith.index_cast %add3A_148 : i32 to index
      %get3A_150 = tpu.vector_load %arg9[%get3A_149] {strides = array<i32>} : memref<10048xi32, #tpu.memory_space<vmem>>, vector<16xi32>,
      %jit3A_151 = arith.constant 0 : i32
      %broadcast_in_dim3A_152 = vector.broadcast %jit3A_151 : i32 to vector<16xi32>
      %select_n3A_153 = arith.select %lt3A_146, %get3A_150, %broadcast_in_dim3A_152 : vector<16xi1>, vector<16xi32>
      %gather3A_154 = tpu.vector_load_idx %arg7[%select_n3A_153] : memref<10000xi32, #tpu.memory_space<vmem>>[vector<16xi32>], vector<16xi32>,
      %jit3A_155 = arith.constant 10000 : i32
      %broadcast_in_dim3A_156 = vector.broadcast %jit3A_155 : i32 to vector<16xi32>
      %select_n3A_157 = arith.select %lt3A_146, %gather3A_154, %broadcast_in_dim3A_156 : vector<16xi1>, vector<16xi32>
      %swap3A_158 = arith.constant 16 : index
      %swap3A_159 = tpu.vector_load %arg12[%swap3A_158] {strides = array<i32>} : memref<64xi32, #tpu.memory_space<vmem>>, vector<16xi32>,
      tpu.vector_store %arg12[%swap3A_158], %select_n3A_157 {strides = array<i32>} : memref<64xi32, #tpu.memory_space<vmem>>, vector<16xi32>,
      %add3A_160 = vector.broadcast %mul3A_0 : i32 to vector<16xi32>
      %add3A_161 = arith.addi %select_n3A_153, %add3A_160 : vector<16xi32>
      %jit3A_162 = arith.constant 0 : i32
      %broadcast_in_dim3A_163 = vector.broadcast %jit3A_162 : i32 to vector<16xi32>
      %select_n3A_164 = arith.select %lt3A_146, %add3A_161, %broadcast_in_dim3A_163 : vector<16xi1>, vector<16xi32>
      %swap3A_165 = arith.constant 16 : index
      %swap3A_166 = tpu.vector_load %arg11[%swap3A_165] {strides = array<i32>} : memref<64xi32, #tpu.memory_space<vmem>>, vector<16xi32>,
      tpu.vector_store %arg11[%swap3A_165], %select_n3A_164 {strides = array<i32>} : memref<64xi32, #tpu.memory_space<vmem>>, vector<16xi32>,
      %add3A_167 = arith.constant 32 : i32
      %add3A_168 = arith.addi %mul3A_119, %add3A_167 : i32
      %add3A_169 = vector.broadcast %add3A_168 : i32 to vector<16xi32>
      %add3A_170 = arith.addi %add3A_169, %iota3A : vector<16xi32>
      %lt3A_171 = vector.broadcast %scan3A_6#0 : i32 to vector<16xi32>
      %lt3A_172 = arith.cmpi slt, %add3A_170, %lt3A_171 : vector<16xi32>
      %add3A_173 = arith.constant 32 : i32
      %add3A_174 = arith.addi %mul3A_119, %add3A_173 : i32
      %get3A_175 = arith.index_cast %add3A_174 : i32 to index
      %get3A_176 = tpu.vector_load %arg9[%get3A_175] {strides = array<i32>} : memref<10048xi32, #tpu.memory_space<vmem>>, vector<16xi32>,
      %jit3A_177 = arith.constant 0 : i32
      %broadcast_in_dim3A_178 = vector.broadcast %jit3A_177 : i32 to vector<16xi32>
      %select_n3A_179 = arith.select %lt3A_172, %get3A_176, %broadcast_in_dim3A_178 : vector<16xi1>, vector<16xi32>
      %gather3A_180 = tpu.vector_load_idx %arg7[%select_n3A_179] : memref<10000xi32, #tpu.memory_space<vmem>>[vector<16xi32>], vector<16xi32>,
      %jit3A_181 = arith.constant 10000 : i32
      %broadcast_in_dim3A_182 = vector.broadcast %jit3A_181 : i32 to vector<16xi32>
      %select_n3A_183 = arith.select %lt3A_172, %gather3A_180, %broadcast_in_dim3A_182 : vector<16xi1>, vector<16xi32>
      %swap3A_184 = arith.constant 32 : index
      %swap3A_185 = tpu.vector_load %arg12[%swap3A_184] {strides = array<i32>} : memref<64xi32, #tpu.memory_space<vmem>>, vector<16xi32>,
      tpu.vector_store %arg12[%swap3A_184], %select_n3A_183 {strides = array<i32>} : memref<64xi32, #tpu.memory_space<vmem>>, vector<16xi32>,
      %add3A_186 = vector.broadcast %mul3A_0 : i32 to vector<16xi32>
      %add3A_187 = arith.addi %select_n3A_179, %add3A_186 : vector<16xi32>
      %jit3A_188 = arith.constant 0 : i32
      %broadcast_in_dim3A_189 = vector.broadcast %jit3A_188 : i32 to vector<16xi32>
      %select_n3A_190 = arith.select %lt3A_172, %add3A_187, %broadcast_in_dim3A_189 : vector<16xi1>, vector<16xi32>
      %swap3A_191 = arith.constant 32 : index
      %swap3A_192 = tpu.vector_load %arg11[%swap3A_191] {strides = array<i32>} : memref<64xi32, #tpu.memory_space<vmem>>, vector<16xi32>,
      tpu.vector_store %arg11[%swap3A_191], %select_n3A_190 {strides = array<i32>} : memref<64xi32, #tpu.memory_space<vmem>>, vector<16xi32>,
      %add3A_193 = arith.constant 48 : i32
      %add3A_194 = arith.addi %mul3A_119, %add3A_193 : i32
      %add3A_195 = vector.broadcast %add3A_194 : i32 to vector<16xi32>
      %add3A_196 = arith.addi %add3A_195, %iota3A : vector<16xi32>
      %lt3A_197 = vector.broadcast %scan3A_6#0 : i32 to vector<16xi32>
      %lt3A_198 = arith.cmpi slt, %add3A_196, %lt3A_197 : vector<16xi32>
      %add3A_199 = arith.constant 48 : i32
      %add3A_200 = arith.addi %mul3A_119, %add3A_199 : i32
      %get3A_201 = arith.index_cast %add3A_200 : i32 to index
      %get3A_202 = tpu.vector_load %arg9[%get3A_201] {strides = array<i32>} : memref<10048xi32, #tpu.memory_space<vmem>>, vector<16xi32>,
      %jit3A_203 = arith.constant 0 : i32
      %broadcast_in_dim3A_204 = vector.broadcast %jit3A_203 : i32 to vector<16xi32>
      %select_n3A_205 = arith.select %lt3A_198, %get3A_202, %broadcast_in_dim3A_204 : vector<16xi1>, vector<16xi32>
      %gather3A_206 = tpu.vector_load_idx %arg7[%select_n3A_205] : memref<10000xi32, #tpu.memory_space<vmem>>[vector<16xi32>], vector<16xi32>,
      %jit3A_207 = arith.constant 10000 : i32
      %broadcast_in_dim3A_208 = vector.broadcast %jit3A_207 : i32 to vector<16xi32>
      %select_n3A_209 = arith.select %lt3A_198, %gather3A_206, %broadcast_in_dim3A_208 : vector<16xi1>, vector<16xi32>
      %swap3A_210 = arith.constant 48 : index
      %swap3A_211 = tpu.vector_load %arg12[%swap3A_210] {strides = array<i32>} : memref<64xi32, #tpu.memory_space<vmem>>, vector<16xi32>,
      tpu.vector_store %arg12[%swap3A_210], %select_n3A_209 {strides = array<i32>} : memref<64xi32, #tpu.memory_space<vmem>>, vector<16xi32>,
      %add3A_212 = vector.broadcast %mul3A_0 : i32 to vector<16xi32>
      %add3A_213 = arith.addi %select_n3A_205, %add3A_212 : vector<16xi32>
      %jit3A_214 = arith.constant 0 : i32
      %broadcast_in_dim3A_215 = vector.broadcast %jit3A_214 : i32 to vector<16xi32>
      %select_n3A_216 = arith.select %lt3A_198, %add3A_213, %broadcast_in_dim3A_215 : vector<16xi1>, vector<16xi32>
      %swap3A_217 = arith.constant 48 : index
      %swap3A_218 = tpu.vector_load %arg11[%swap3A_217] {strides = array<i32>} : memref<64xi32, #tpu.memory_space<vmem>>, vector<16xi32>,
      tpu.vector_store %arg11[%swap3A_217], %select_n3A_216 {strides = array<i32>} : memref<64xi32, #tpu.memory_space<vmem>>, vector<16xi32>,
      %dma_start3A = arith.constant 0 : i32
      %dma_start3A_219 = arith.constant 0 : i32
      %dma_start3A_220 = tpu.memref_slice %arg2[%dma_start3A, %dma_start3A_219] : memref<161792x128xf32, #tpu.memory_space<hbm>> -> memref<161792x128xf32, #tpu.memory_space<hbm>>
      tpu.enqueue_indirect_dma source(%dma_start3A_220 : memref<161792x128xf32, #tpu.memory_space<hbm>>) target(%arg13 : memref<64x128xf32, #tpu.memory_space<vmem>>) offsets(%arg11 : memref<64xi32, #tpu.memory_space<vmem>>) semaphore(%arg15 : memref<!tpu.dma_semaphore, #tpu.memory_space<semaphore_mem>>)
      %dma_wait3A = arith.constant 0 : i32
      %dma_wait3A_221 = arith.constant 0 : i32
      %dma_wait3A_222 = tpu.memref_slice %arg2[%dma_wait3A, %dma_wait3A_221] : memref<161792x128xf32, #tpu.memory_space<hbm>> -> memref<161792x128xf32, #tpu.memory_space<hbm>>
      tpu.wait_indirect_dma semaphore(%arg15 : memref<!tpu.dma_semaphore, #tpu.memory_space<semaphore_mem>>) src(%dma_wait3A_222 : memref<161792x128xf32, #tpu.memory_space<hbm>>) dst(%arg13 : memref<64x128xf32, #tpu.memory_space<vmem>>)
      "tpu.region"() ({
        %run_scoped3A = tpu.sem_alloc : memref<!tpu.dma_semaphore, #tpu.memory_space<semaphore_mem>>
        %dma_start3A_224 = arith.constant 0 : i32
        %dma_start3A_225 = arith.constant 0 : i32
        %dma_start3A_226 = tpu.memref_slice %arg14[%dma_start3A_224, %dma_start3A_225] : memref<10112x128xf32, #tpu.memory_space<vmem_shared>> -> memref<10112x128xf32, #tpu.memory_space<vmem_shared>>
        tpu.enqueue_indirect_dma source(%arg13 : memref<64x128xf32, #tpu.memory_space<vmem>>) target(%dma_start3A_226 : memref<10112x128xf32, #tpu.memory_space<vmem_shared>>) offsets(%arg12 : memref<64xi32, #tpu.memory_space<vmem>>) semaphore(%run_scoped3A : memref<!tpu.dma_semaphore, #tpu.memory_space<semaphore_mem>>) {add = true}
        %dma_wait3A_227 = arith.constant 0 : i32
        %dma_wait3A_228 = arith.constant 0 : i32
        %dma_wait3A_229 = tpu.memref_slice %arg14[%dma_wait3A_227, %dma_wait3A_228] : memref<10112x128xf32, #tpu.memory_space<vmem_shared>> -> memref<10112x128xf32, #tpu.memory_space<vmem_shared>>
        tpu.wait_indirect_dma semaphore(%run_scoped3A : memref<!tpu.dma_semaphore, #tpu.memory_space<semaphore_mem>>) src(%arg13 : memref<64x128xf32, #tpu.memory_space<vmem>>) dst(%dma_wait3A_229 : memref<10112x128xf32, #tpu.memory_space<vmem_shared>>)
        tpu.yield
      }) : () -> ()
      %while3A_223 = arith.constant 0 : i32
      scf.yield %while3A_223 : i32
    }
    %while3A_39 = arith.constant 1 : i32
    %while3A_40 = scf.for %while3A_116 = %while3A_36 to %while3A_32 step %while3A_39 iter_args(%while3A_117 = %while3A_38) -> (i32)  : i32 {
      %mul3A_118 = arith.constant 64 : i32
      %mul3A_119 = arith.muli %while3A_116, %mul3A_118 : i32
      %add3A_120 = arith.constant 0 : i32
      %add3A_121 = arith.addi %mul3A_119, %add3A_120 : i32
      %add3A_122 = vector.broadcast %add3A_121 : i32 to vector<16xi32>
      %add3A_123 = arith.addi %add3A_122, %iota3A : vector<16xi32>
      %lt3A = vector.broadcast %scan3A_6#0 : i32 to vector<16xi32>
      %lt3A_124 = arith.cmpi slt, %add3A_123, %lt3A : vector<16xi32>
      %add3A_125 = arith.constant 0 : i32
      %add3A_126 = arith.addi %mul3A_119, %add3A_125 : i32
      %get3A = arith.index_cast %add3A_126 : i32 to index
      %get3A_127 = tpu.vector_load %arg9[%get3A] {strides = array<i32>} : memref<10048xi32, #tpu.memory_space<vmem>>, vector<16xi32>,
      %jit3A_128 = arith.constant 0 : i32
      %broadcast_in_dim3A = vector.broadcast %jit3A_128 : i32 to vector<16xi32>
      %select_n3A_129 = arith.select %lt3A_124, %get3A_127, %broadcast_in_dim3A : vector<16xi1>, vector<16xi32>
      %gather3A = tpu.vector_load_idx %arg7[%select_n3A_129] : memref<10000xi32, #tpu.memory_space<vmem>>[vector<16xi32>], vector<16xi32>,
      %jit3A_130 = arith.constant 10000 : i32
      %broadcast_in_dim3A_131 = vector.broadcast %jit3A_130 : i32 to vector<16xi32>
      %select_n3A_132 = arith.select %lt3A_124, %gather3A, %broadcast_in_dim3A_131 : vector<16xi1>, vector<16xi32>
      %swap3A = arith.constant 0 : index
      %swap3A_133 = tpu.vector_load %arg12[%swap3A] {strides = array<i32>} : memref<64xi32, #tpu.memory_space<vmem>>, vector<16xi32>,
      tpu.vector_store %arg12[%swap3A], %select_n3A_132 {strides = array<i32>} : memref<64xi32, #tpu.memory_space<vmem>>, vector<16xi32>,
      %add3A_134 = vector.broadcast %mul3A_0 : i32 to vector<16xi32>
      %add3A_135 = arith.addi %select_n3A_129, %add3A_134 : vector<16xi32>
      %jit3A_136 = arith.constant 0 : i32
      %broadcast_in_dim3A_137 = vector.broadcast %jit3A_136 : i32 to vector<16xi32>
      %select_n3A_138 = arith.select %lt3A_124, %add3A_135, %broadcast_in_dim3A_137 : vector<16xi1>, vector<16xi32>
      %swap3A_139 = arith.constant 0 : index
      %swap3A_140 = tpu.vector_load %arg11[%swap3A_139] {strides = array<i32>} : memref<64xi32, #tpu.memory_space<vmem>>, vector<16xi32>,
      tpu.vector_store %arg11[%swap3A_139], %select_n3A_138 {strides = array<i32>} : memref<64xi32, #tpu.memory_space<vmem>>, vector<16xi32>,
      %add3A_141 = arith.constant 16 : i32
      %add3A_142 = arith.addi %mul3A_119, %add3A_141 : i32
      %add3A_143 = vector.broadcast %add3A_142 : i32 to vector<16xi32>
      %add3A_144 = arith.addi %add3A_143, %iota3A : vector<16xi32>
      %lt3A_145 = vector.broadcast %scan3A_6#0 : i32 to vector<16xi32>
      %lt3A_146 = arith.cmpi slt, %add3A_144, %lt3A_145 : vector<16xi32>
      %add3A_147 = arith.constant 16 : i32
      %add3A_148 = arith.addi %mul3A_119, %add3A_147 : i32
      %get3A_149 = arith.index_cast %add3A_148 : i32 to index
      %get3A_150 = tpu.vector_load %arg9[%get3A_149] {strides = array<i32>} : memref<10048xi32, #tpu.memory_space<vmem>>, vector<16xi32>,
      %jit3A_151 = arith.constant 0 : i32
      %broadcast_in_dim3A_152 = vector.broadcast %jit3A_151 : i32 to vector<16xi32>
      %select_n3A_153 = arith.select %lt3A_146, %get3A_150, %broadcast_in_dim3A_152 : vector<16xi1>, vector<16xi32>
      %gather3A_154 = tpu.vector_load_idx %arg7[%select_n3A_153] : memref<10000xi32, #tpu.memory_space<vmem>>[vector<16xi32>], vector<16xi32>,
      %jit3A_155 = arith.constant 10000 : i32
      %broadcast_in_dim3A_156 = vector.broadcast %jit3A_155 : i32 to vector<16xi32>
      %select_n3A_157 = arith.select %lt3A_146, %gather3A_154, %broadcast_in_dim3A_156 : vector<16xi1>, vector<16xi32>
      %swap3A_158 = arith.constant 16 : index
      %swap3A_159 = tpu.vector_load %arg12[%swap3A_158] {strides = array<i32>} : memref<64xi32, #tpu.memory_space<vmem>>, vector<16xi32>,
      tpu.vector_store %arg12[%swap3A_158], %select_n3A_157 {strides = array<i32>} : memref<64xi32, #tpu.memory_space<vmem>>, vector<16xi32>,
      %add3A_160 = vector.broadcast %mul3A_0 : i32 to vector<16xi32>
      %add3A_161 = arith.addi %select_n3A_153, %add3A_160 : vector<16xi32>
      %jit3A_162 = arith.constant 0 : i32
      %broadcast_in_dim3A_163 = vector.broadcast %jit3A_162 : i32 to vector<16xi32>
      %select_n3A_164 = arith.select %lt3A_146, %add3A_161, %broadcast_in_dim3A_163 : vector<16xi1>, vector<16xi32>
      %swap3A_165 = arith.constant 16 : index
      %swap3A_166 = tpu.vector_load %arg11[%swap3A_165] {strides = array<i32>} : memref<64xi32, #tpu.memory_space<vmem>>, vector<16xi32>,
      tpu.vector_store %arg11[%swap3A_165], %select_n3A_164 {strides = array<i32>} : memref<64xi32, #tpu.memory_space<vmem>>, vector<16xi32>,
      %add3A_167 = arith.constant 32 : i32
      %add3A_168 = arith.addi %mul3A_119, %add3A_167 : i32
      %add3A_169 = vector.broadcast %add3A_168 : i32 to vector<16xi32>
      %add3A_170 = arith.addi %add3A_169, %iota3A : vector<16xi32>
      %lt3A_171 = vector.broadcast %scan3A_6#0 : i32 to vector<16xi32>
      %lt3A_172 = arith.cmpi slt, %add3A_170, %lt3A_171 : vector<16xi32>
      %add3A_173 = arith.constant 32 : i32
      %add3A_174 = arith.addi %mul3A_119, %add3A_173 : i32
      %get3A_175 = arith.index_cast %add3A_174 : i32 to index
      %get3A_176 = tpu.vector_load %arg9[%get3A_175] {strides = array<i32>} : memref<10048xi32, #tpu.memory_space<vmem>>, vector<16xi32>,
      %jit3A_177 = arith.constant 0 : i32
      %broadcast_in_dim3A_178 = vector.broadcast %jit3A_177 : i32 to vector<16xi32>
      %select_n3A_179 = arith.select %lt3A_172, %get3A_176, %broadcast_in_dim3A_178 : vector<16xi1>, vector<16xi32>
      %gather3A_180 = tpu.vector_load_idx %arg7[%select_n3A_179] : memref<10000xi32, #tpu.memory_space<vmem>>[vector<16xi32>], vector<16xi32>,
      %jit3A_181 = arith.constant 10000 : i32
      %broadcast_in_dim3A_182 = vector.broadcast %jit3A_181 : i32 to vector<16xi32>
      %select_n3A_183 = arith.select %lt3A_172, %gather3A_180, %broadcast_in_dim3A_182 : vector<16xi1>, vector<16xi32>
      %swap3A_184 = arith.constant 32 : index
      %swap3A_185 = tpu.vector_load %arg12[%swap3A_184] {strides = array<i32>} : memref<64xi32, #tpu.memory_space<vmem>>, vector<16xi32>,
      tpu.vector_store %arg12[%swap3A_184], %select_n3A_183 {strides = array<i32>} : memref<64xi32, #tpu.memory_space<vmem>>, vector<16xi32>,
      %add3A_186 = vector.broadcast %mul3A_0 : i32 to vector<16xi32>
      %add3A_187 = arith.addi %select_n3A_179, %add3A_186 : vector<16xi32>
      %jit3A_188 = arith.constant 0 : i32
      %broadcast_in_dim3A_189 = vector.broadcast %jit3A_188 : i32 to vector<16xi32>
      %select_n3A_190 = arith.select %lt3A_172, %add3A_187, %broadcast_in_dim3A_189 : vector<16xi1>, vector<16xi32>
      %swap3A_191 = arith.constant 32 : index
      %swap3A_192 = tpu.vector_load %arg11[%swap3A_191] {strides = array<i32>} : memref<64xi32, #tpu.memory_space<vmem>>, vector<16xi32>,
      tpu.vector_store %arg11[%swap3A_191], %select_n3A_190 {strides = array<i32>} : memref<64xi32, #tpu.memory_space<vmem>>, vector<16xi32>,
      %add3A_193 = arith.constant 48 : i32
      %add3A_194 = arith.addi %mul3A_119, %add3A_193 : i32
      %add3A_195 = vector.broadcast %add3A_194 : i32 to vector<16xi32>
      %add3A_196 = arith.addi %add3A_195, %iota3A : vector<16xi32>
      %lt3A_197 = vector.broadcast %scan3A_6#0 : i32 to vector<16xi32>
      %lt3A_198 = arith.cmpi slt, %add3A_196, %lt3A_197 : vector<16xi32>
      %add3A_199 = arith.constant 48 : i32
      %add3A_200 = arith.addi %mul3A_119, %add3A_199 : i32
      %get3A_201 = arith.index_cast %add3A_200 : i32 to index
      %get3A_202 = tpu.vector_load %arg9[%get3A_201] {strides = array<i32>} : memref<10048xi32, #tpu.memory_space<vmem>>, vector<16xi32>,
      %jit3A_203 = arith.constant 0 : i32
      %broadcast_in_dim3A_204 = vector.broadcast %jit3A_203 : i32 to vector<16xi32>
      %select_n3A_205 = arith.select %lt3A_198, %get3A_202, %broadcast_in_dim3A_204 : vector<16xi1>, vector<16xi32>
      %gather3A_206 = tpu.vector_load_idx %arg7[%select_n3A_205] : memref<10000xi32, #tpu.memory_space<vmem>>[vector<16xi32>], vector<16xi32>,
      %jit3A_207 = arith.constant 10000 : i32
      %broadcast_in_dim3A_208 = vector.broadcast %jit3A_207 : i32 to vector<16xi32>
      %select_n3A_209 = arith.select %lt3A_198, %gather3A_206, %broadcast_in_dim3A_208 : vector<16xi1>, vector<16xi32>
      %swap3A_210 = arith.constant 48 : index
      %swap3A_211 = tpu.vector_load %arg12[%swap3A_210] {strides = array<i32>} : memref<64xi32, #tpu.memory_space<vmem>>, vector<16xi32>,
      tpu.vector_store %arg12[%swap3A_210], %select_n3A_209 {strides = array<i32>} : memref<64xi32, #tpu.memory_space<vmem>>, vector<16xi32>,
      %add3A_212 = vector.broadcast %mul3A_0 : i32 to vector<16xi32>
      %add3A_213 = arith.addi %select_n3A_205, %add3A_212 : vector<16xi32>
      %jit3A_214 = arith.constant 0 : i32
      %broadcast_in_dim3A_215 = vector.broadcast %jit3A_214 : i32 to vector<16xi32>
      %select_n3A_216 = arith.select %lt3A_198, %add3A_213, %broadcast_in_dim3A_215 : vector<16xi1>, vector<16xi32>
      %swap3A_217 = arith.constant 48 : index
      %swap3A_218 = tpu.vector_load %arg11[%swap3A_217] {strides = array<i32>} : memref<64xi32, #tpu.memory_space<vmem>>, vector<16xi32>,
      tpu.vector_store %arg11[%swap3A_217], %select_n3A_216 {strides = array<i32>} : memref<64xi32, #tpu.memory_space<vmem>>, vector<16xi32>,
      %dma_start3A = arith.constant 0 : i32
      %dma_start3A_219 = arith.constant 0 : i32
      %dma_start3A_220 = tpu.memref_slice %arg2[%dma_start3A, %dma_start3A_219] : memref<161792x128xf32, #tpu.memory_space<hbm>> -> memref<161792x128xf32, #tpu.memory_space<hbm>>
      tpu.enqueue_indirect_dma source(%dma_start3A_220 : memref<161792x128xf32, #tpu.memory_space<hbm>>) target(%arg13 : memref<64x128xf32, #tpu.memory_space<vmem>>) offsets(%arg11 : memref<64xi32, #tpu.memory_space<vmem>>) semaphore(%arg15 : memref<!tpu.dma_semaphore, #tpu.memory_space<semaphore_mem>>)
      %dma_wait3A = arith.constant 0 : i32
      %dma_wait3A_221 = arith.constant 0 : i32
      %dma_wait3A_222 = tpu.memref_slice %arg2[%dma_wait3A, %dma_wait3A_221] : memref<161792x128xf32, #tpu.memory_space<hbm>> -> memref<161792x128xf32, #tpu.memory_space<hbm>>
      tpu.wait_indirect_dma semaphore(%arg15 : memref<!tpu.dma_semaphore, #tpu.memory_space<semaphore_mem>>) src(%dma_wait3A_222 : memref<161792x128xf32, #tpu.memory_space<hbm>>) dst(%arg13 : memref<64x128xf32, #tpu.memory_space<vmem>>)
      "tpu.region"() ({
        %run_scoped3A = tpu.sem_alloc : memref<!tpu.dma_semaphore, #tpu.memory_space<semaphore_mem>>
        %dma_start3A_224 = arith.constant 0 : i32
        %dma_start3A_225 = arith.constant 0 : i32
        %dma_start3A_226 = tpu.memref_slice %arg14[%dma_start3A_224, %dma_start3A_225] : memref<10112x128xf32, #tpu.memory_space<vmem_shared>> -> memref<10112x128xf32, #tpu.memory_space<vmem_shared>>
        tpu.enqueue_indirect_dma source(%arg13 : memref<64x128xf32, #tpu.memory_space<vmem>>) target(%dma_start3A_226 : memref<10112x128xf32, #tpu.memory_space<vmem_shared>>) offsets(%arg12 : memref<64xi32, #tpu.memory_space<vmem>>) semaphore(%run_scoped3A : memref<!tpu.dma_semaphore, #tpu.memory_space<semaphore_mem>>) {add = true}
        %dma_wait3A_227 = arith.constant 0 : i32
        %dma_wait3A_228 = arith.constant 0 : i32
        %dma_wait3A_229 = tpu.memref_slice %arg14[%dma_wait3A_227, %dma_wait3A_228] : memref<10112x128xf32, #tpu.memory_space<vmem_shared>> -> memref<10112x128xf32, #tpu.memory_space<vmem_shared>>
        tpu.wait_indirect_dma semaphore(%run_scoped3A : memref<!tpu.dma_semaphore, #tpu.memory_space<semaphore_mem>>) src(%arg13 : memref<64x128xf32, #tpu.memory_space<vmem>>) dst(%dma_wait3A_229 : memref<10112x128xf32, #tpu.memory_space<vmem_shared>>)
        tpu.yield
      }) : () -> ()
      %while3A_223 = arith.constant 0 : i32
      scf.yield %while3A_223 : i32
    }
    %barrier3A_41 = arith.constant 0 : index
    tpu.barrier barrier_id(%barrier3A_41)
    %mul3A_42 = arith.constant 2 : i32
    %mul3A_43 = arith.muli %mul3A_42, %arg0 : i32
    %add3A_44 = arith.constant 0 : i32
    %add3A_45 = arith.addi %mul3A_43, %add3A_44 : i32
    %mul3A_46 = arith.constant 624 : i32
    %mul3A_47 = arith.muli %arg1, %mul3A_46 : i32
    %mul3A_48 = arith.constant 10000 : i32
    %mul3A_49 = arith.muli %add3A_45, %mul3A_48 : i32
    %mul3A_50 = arith.constant 624 : i32
    %mul3A_51 = arith.muli %arg1, %mul3A_50 : i32
    %add3A_52 = arith.addi %mul3A_49, %mul3A_51 : i32
    "tpu.region"() ({
      %run_scoped3A = tpu.sem_alloc : memref<!tpu.dma_semaphore, #tpu.memory_space<semaphore_mem>>
      %dma_start3A = arith.constant 0 : i32
      %dma_start3A_116 = tpu.memref_slice %arg6[%add3A_52, %dma_start3A] : memref<40000x128xf32, #tpu.memory_space<hbm>> -> memref<624x128xf32, #tpu.memory_space<hbm>>
      %dma_start3A_117 = arith.constant 0 : i32
      %dma_start3A_118 = tpu.memref_slice %arg14[%mul3A_47, %dma_start3A_117] : memref<10112x128xf32, #tpu.memory_space<vmem_shared>> -> memref<624x128xf32, #tpu.memory_space<vmem_shared>>
      tpu.enqueue_dma source(%dma_start3A_118 : memref<624x128xf32, #tpu.memory_space<vmem_shared>>) target(%dma_start3A_116 : memref<624x128xf32, #tpu.memory_space<hbm>>) target_semaphore(%run_scoped3A : memref<!tpu.dma_semaphore, #tpu.memory_space<semaphore_mem>>)
      %dma_wait3A = arith.constant 0 : i32
      %dma_wait3A_119 = tpu.memref_slice %arg6[%add3A_52, %dma_wait3A] : memref<40000x128xf32, #tpu.memory_space<hbm>> -> memref<624x128xf32, #tpu.memory_space<hbm>>
      %dma_wait3A_120 = arith.constant 0 : i32
      %dma_wait3A_121 = tpu.memref_slice %arg14[%mul3A_47, %dma_wait3A_120] : memref<10112x128xf32, #tpu.memory_space<vmem_shared>> -> memref<624x128xf32, #tpu.memory_space<vmem_shared>>
      tpu.wait_dma2 semaphore(%run_scoped3A : memref<!tpu.dma_semaphore, #tpu.memory_space<semaphore_mem>>) src(%dma_wait3A_121 : memref<624x128xf32, #tpu.memory_space<vmem_shared>>) dst(%dma_wait3A_119 : memref<624x128xf32, #tpu.memory_space<hbm>>)
      tpu.yield
    }) : () -> ()
    %eq3A = arith.constant 0 : i32
    %eq3A_53 = arith.cmpi eq, %arg1, %eq3A : i32
    %convert_element_type3A = arith.extui %eq3A_53 : i1 to i32
    %cond3A = arith.constant 0 : i32
    %cond3A_54 = arith.cmpi ne, %convert_element_type3A, %cond3A : i32
    scf.if %cond3A_54 {
      %mul3A_116 = arith.constant 10000 : i32
      %mul3A_117 = arith.muli %add3A_45, %mul3A_116 : i32
      %add3A_118 = arith.constant 9984 : i32
      %add3A_119 = arith.addi %mul3A_117, %add3A_118 : i32
      "tpu.region"() ({
        %run_scoped3A = tpu.sem_alloc : memref<!tpu.dma_semaphore, #tpu.memory_space<semaphore_mem>>
        %dma_start3A = arith.constant 0 : i32
        %dma_start3A_120 = tpu.memref_slice %arg6[%add3A_119, %dma_start3A] : memref<40000x128xf32, #tpu.memory_space<hbm>> -> memref<16x128xf32, #tpu.memory_space<hbm>>
        %dma_start3A_121 = arith.constant 9984 : i32
        %dma_start3A_122 = arith.constant 0 : i32
        %dma_start3A_123 = tpu.memref_slice %arg14[%dma_start3A_121, %dma_start3A_122] : memref<10112x128xf32, #tpu.memory_space<vmem_shared>> -> memref<16x128xf32, #tpu.memory_space<vmem_shared>>
        tpu.enqueue_dma source(%dma_start3A_123 : memref<16x128xf32, #tpu.memory_space<vmem_shared>>) target(%dma_start3A_120 : memref<16x128xf32, #tpu.memory_space<hbm>>) target_semaphore(%run_scoped3A : memref<!tpu.dma_semaphore, #tpu.memory_space<semaphore_mem>>)
        %dma_wait3A = arith.constant 0 : i32
        %dma_wait3A_124 = tpu.memref_slice %arg6[%add3A_119, %dma_wait3A] : memref<40000x128xf32, #tpu.memory_space<hbm>> -> memref<16x128xf32, #tpu.memory_space<hbm>>
        %dma_wait3A_125 = arith.constant 9984 : i32
        %dma_wait3A_126 = arith.constant 0 : i32
        %dma_wait3A_127 = tpu.memref_slice %arg14[%dma_wait3A_125, %dma_wait3A_126] : memref<10112x128xf32, #tpu.memory_space<vmem_shared>> -> memref<16x128xf32, #tpu.memory_space<vmem_shared>>
        tpu.wait_dma2 semaphore(%run_scoped3A : memref<!tpu.dma_semaphore, #tpu.memory_space<semaphore_mem>>) src(%dma_wait3A_127 : memref<16x128xf32, #tpu.memory_space<vmem_shared>>) dst(%dma_wait3A_124 : memref<16x128xf32, #tpu.memory_space<hbm>>)
        tpu.yield
      }) : () -> ()
    } else {
    }
    %barrier3A_55 = arith.constant 0 : index
    tpu.barrier barrier_id(%barrier3A_55)
    %mul3A_56 = arith.constant 632 : i32
    %mul3A_57 = arith.muli %arg1, %mul3A_56 : i32
    "tpu.region"() ({
      %run_scoped3A = tpu.sem_alloc : memref<!tpu.dma_semaphore, #tpu.memory_space<semaphore_mem>>
      %dma_start3A = arith.constant 0 : i32
      %dma_start3A_116 = tpu.memref_slice %arg14[%mul3A_57, %dma_start3A] : memref<10112x128xf32, #tpu.memory_space<vmem_shared>> -> memref<632x128xf32, #tpu.memory_space<vmem_shared>>
      %dma_start3A_117 = arith.constant 0 : i32
      %dma_start3A_118 = arith.constant 0 : i32
      %dma_start3A_119 = tpu.memref_slice %arg5[%dma_start3A_117, %dma_start3A_118] : memref<640x128xf32, #tpu.memory_space<hbm>> -> memref<632x128xf32, #tpu.memory_space<hbm>>
      tpu.enqueue_dma source(%dma_start3A_119 : memref<632x128xf32, #tpu.memory_space<hbm>>) target(%dma_start3A_116 : memref<632x128xf32, #tpu.memory_space<vmem_shared>>) target_semaphore(%run_scoped3A : memref<!tpu.dma_semaphore, #tpu.memory_space<semaphore_mem>>)
      %dma_wait3A = arith.constant 0 : i32
      %dma_wait3A_120 = tpu.memref_slice %arg14[%mul3A_57, %dma_wait3A] : memref<10112x128xf32, #tpu.memory_space<vmem_shared>> -> memref<632x128xf32, #tpu.memory_space<vmem_shared>>
      %dma_wait3A_121 = arith.constant 0 : i32
      %dma_wait3A_122 = arith.constant 0 : i32
      %dma_wait3A_123 = tpu.memref_slice %arg5[%dma_wait3A_121, %dma_wait3A_122] : memref<640x128xf32, #tpu.memory_space<hbm>> -> memref<632x128xf32, #tpu.memory_space<hbm>>
      tpu.wait_dma2 semaphore(%run_scoped3A : memref<!tpu.dma_semaphore, #tpu.memory_space<semaphore_mem>>) src(%dma_wait3A_123 : memref<632x128xf32, #tpu.memory_space<hbm>>) dst(%dma_wait3A_120 : memref<632x128xf32, #tpu.memory_space<vmem_shared>>)
      tpu.yield
    }) : () -> ()
    %barrier3A_58 = arith.constant 0 : index
    tpu.barrier barrier_id(%barrier3A_58)
    %add3A_59 = arith.constant 64 : i32
    %add3A_60 = arith.addi %scan3A_6#1, %add3A_59 : i32
    %sub3A_61 = arith.constant 1 : i32
    %sub3A_62 = arith.subi %add3A_60, %sub3A_61 : i32
    %jit3A_63 = arith.constant 64 : i32
    %div3A_64 = arith.divsi %sub3A_62, %jit3A_63 : i32
    %sign3A_65 = arith.constant 0 : i32
    %sign3A_66 = arith.cmpi sgt, %sub3A_62, %sign3A_65 : i32
    %sign3A_67 = arith.extui %sign3A_66 : i1 to i32
    %sign3A_68 = arith.constant 0 : i32
    %sign3A_69 = arith.cmpi slt, %sub3A_62, %sign3A_68 : i32
    %sign3A_70 = arith.extui %sign3A_69 : i1 to i32
    %sign3A_71 = arith.subi %sign3A_67, %sign3A_70 : i32
    %sign3A_72 = arith.constant 0 : i32
    %sign3A_73 = arith.cmpi sgt, %jit3A_63, %sign3A_72 : i32
    %sign3A_74 = arith.extui %sign3A_73 : i1 to i32
    %sign3A_75 = arith.constant 0 : i32
    %sign3A_76 = arith.cmpi slt, %jit3A_63, %sign3A_75 : i32
    %sign3A_77 = arith.extui %sign3A_76 : i1 to i32
    %sign3A_78 = arith.subi %sign3A_74, %sign3A_77 : i32
    %ne3A_79 = arith.cmpi ne, %sign3A_71, %sign3A_78 : i32
    %rem3A_80 = arith.remsi %sub3A_62, %jit3A_63 : i32
    %ne3A_81 = arith.constant 0 : i32
    %ne3A_82 = arith.cmpi ne, %rem3A_80, %ne3A_81 : i32
    %and3A_83 = arith.andi %ne3A_79, %ne3A_82 : i1
    %sub3A_84 = arith.constant 1 : i32
    %sub3A_85 = arith.subi %div3A_64, %sub3A_84 : i32
    %select_n3A_86 = arith.select %and3A_83, %sub3A_85, %div3A_64 : i32
    %while3A_87 = arith.constant 0 : i32
    %while3A_88 = arith.constant 0 : i32
    %while3A_89 = arith.subi %select_n3A_86, %while3A_87 : i32
    %while3A_90 = arith.addi %while3A_87, %while3A_89 : i32
    %while3A_91 = arith.constant 1 : i32
    %while3A_92 = arith.divsi %while3A_89, %while3A_91 : i32
    %while3A_93 = arith.muli %while3A_92, %while3A_91 : i32
    %while3A_94 = arith.addi %while3A_87, %while3A_93 : i32
    %while3A_95 = arith.constant 1 : i32
    %while3A_96 = scf.for %while3A_116 = %while3A_87 to %while3A_94 step %while3A_95 iter_args(%while3A_117 = %while3A_88) -> (i32)  : i32 {
      %mul3A_118 = arith.constant 64 : i32
      %mul3A_119 = arith.muli %while3A_116, %mul3A_118 : i32
      %add3A_120 = arith.constant 0 : i32
      %add3A_121 = arith.addi %mul3A_119, %add3A_120 : i32
      %add3A_122 = vector.broadcast %add3A_121 : i32 to vector<16xi32>
      %add3A_123 = arith.addi %add3A_122, %iota3A : vector<16xi32>
      %lt3A = vector.broadcast %scan3A_6#1 : i32 to vector<16xi32>
      %lt3A_124 = arith.cmpi slt, %add3A_123, %lt3A : vector<16xi32>
      %add3A_125 = arith.constant 0 : i32
      %add3A_126 = arith.addi %mul3A_119, %add3A_125 : i32
      %get3A = arith.index_cast %add3A_126 : i32 to index
      %get3A_127 = tpu.vector_load %arg10[%get3A] {strides = array<i32>} : memref<10048xi32, #tpu.memory_space<vmem>>, vector<16xi32>,
      %jit3A_128 = arith.constant 0 : i32
      %broadcast_in_dim3A = vector.broadcast %jit3A_128 : i32 to vector<16xi32>
      %select_n3A_129 = arith.select %lt3A_124, %get3A_127, %broadcast_in_dim3A : vector<16xi1>, vector<16xi32>
      %gather3A = tpu.vector_load_idx %arg7[%select_n3A_129] : memref<10000xi32, #tpu.memory_space<vmem>>[vector<16xi32>], vector<16xi32>,
      %jit3A_130 = arith.constant 10000 : i32
      %broadcast_in_dim3A_131 = vector.broadcast %jit3A_130 : i32 to vector<16xi32>
      %select_n3A_132 = arith.select %lt3A_124, %gather3A, %broadcast_in_dim3A_131 : vector<16xi1>, vector<16xi32>
      %swap3A = arith.constant 0 : index
      %swap3A_133 = tpu.vector_load %arg12[%swap3A] {strides = array<i32>} : memref<64xi32, #tpu.memory_space<vmem>>, vector<16xi32>,
      tpu.vector_store %arg12[%swap3A], %select_n3A_132 {strides = array<i32>} : memref<64xi32, #tpu.memory_space<vmem>>, vector<16xi32>,
      %add3A_134 = vector.broadcast %mul3A_0 : i32 to vector<16xi32>
      %add3A_135 = arith.addi %select_n3A_129, %add3A_134 : vector<16xi32>
      %jit3A_136 = arith.constant 0 : i32
      %broadcast_in_dim3A_137 = vector.broadcast %jit3A_136 : i32 to vector<16xi32>
      %select_n3A_138 = arith.select %lt3A_124, %add3A_135, %broadcast_in_dim3A_137 : vector<16xi1>, vector<16xi32>
      %swap3A_139 = arith.constant 0 : index
      %swap3A_140 = tpu.vector_load %arg11[%swap3A_139] {strides = array<i32>} : memref<64xi32, #tpu.memory_space<vmem>>, vector<16xi32>,
      tpu.vector_store %arg11[%swap3A_139], %select_n3A_138 {strides = array<i32>} : memref<64xi32, #tpu.memory_space<vmem>>, vector<16xi32>,
      %add3A_141 = arith.constant 16 : i32
      %add3A_142 = arith.addi %mul3A_119, %add3A_141 : i32
      %add3A_143 = vector.broadcast %add3A_142 : i32 to vector<16xi32>
      %add3A_144 = arith.addi %add3A_143, %iota3A : vector<16xi32>
      %lt3A_145 = vector.broadcast %scan3A_6#1 : i32 to vector<16xi32>
      %lt3A_146 = arith.cmpi slt, %add3A_144, %lt3A_145 : vector<16xi32>
      %add3A_147 = arith.constant 16 : i32
      %add3A_148 = arith.addi %mul3A_119, %add3A_147 : i32
      %get3A_149 = arith.index_cast %add3A_148 : i32 to index
      %get3A_150 = tpu.vector_load %arg10[%get3A_149] {strides = array<i32>} : memref<10048xi32, #tpu.memory_space<vmem>>, vector<16xi32>,
      %jit3A_151 = arith.constant 0 : i32
      %broadcast_in_dim3A_152 = vector.broadcast %jit3A_151 : i32 to vector<16xi32>
      %select_n3A_153 = arith.select %lt3A_146, %get3A_150, %broadcast_in_dim3A_152 : vector<16xi1>, vector<16xi32>
      %gather3A_154 = tpu.vector_load_idx %arg7[%select_n3A_153] : memref<10000xi32, #tpu.memory_space<vmem>>[vector<16xi32>], vector<16xi32>,
      %jit3A_155 = arith.constant 10000 : i32
      %broadcast_in_dim3A_156 = vector.broadcast %jit3A_155 : i32 to vector<16xi32>
      %select_n3A_157 = arith.select %lt3A_146, %gather3A_154, %broadcast_in_dim3A_156 : vector<16xi1>, vector<16xi32>
      %swap3A_158 = arith.constant 16 : index
      %swap3A_159 = tpu.vector_load %arg12[%swap3A_158] {strides = array<i32>} : memref<64xi32, #tpu.memory_space<vmem>>, vector<16xi32>,
      tpu.vector_store %arg12[%swap3A_158], %select_n3A_157 {strides = array<i32>} : memref<64xi32, #tpu.memory_space<vmem>>, vector<16xi32>,
      %add3A_160 = vector.broadcast %mul3A_0 : i32 to vector<16xi32>
      %add3A_161 = arith.addi %select_n3A_153, %add3A_160 : vector<16xi32>
      %jit3A_162 = arith.constant 0 : i32
      %broadcast_in_dim3A_163 = vector.broadcast %jit3A_162 : i32 to vector<16xi32>
      %select_n3A_164 = arith.select %lt3A_146, %add3A_161, %broadcast_in_dim3A_163 : vector<16xi1>, vector<16xi32>
      %swap3A_165 = arith.constant 16 : index
      %swap3A_166 = tpu.vector_load %arg11[%swap3A_165] {strides = array<i32>} : memref<64xi32, #tpu.memory_space<vmem>>, vector<16xi32>,
      tpu.vector_store %arg11[%swap3A_165], %select_n3A_164 {strides = array<i32>} : memref<64xi32, #tpu.memory_space<vmem>>, vector<16xi32>,
      %add3A_167 = arith.constant 32 : i32
      %add3A_168 = arith.addi %mul3A_119, %add3A_167 : i32
      %add3A_169 = vector.broadcast %add3A_168 : i32 to vector<16xi32>
      %add3A_170 = arith.addi %add3A_169, %iota3A : vector<16xi32>
      %lt3A_171 = vector.broadcast %scan3A_6#1 : i32 to vector<16xi32>
      %lt3A_172 = arith.cmpi slt, %add3A_170, %lt3A_171 : vector<16xi32>
      %add3A_173 = arith.constant 32 : i32
      %add3A_174 = arith.addi %mul3A_119, %add3A_173 : i32
      %get3A_175 = arith.index_cast %add3A_174 : i32 to index
      %get3A_176 = tpu.vector_load %arg10[%get3A_175] {strides = array<i32>} : memref<10048xi32, #tpu.memory_space<vmem>>, vector<16xi32>,
      %jit3A_177 = arith.constant 0 : i32
      %broadcast_in_dim3A_178 = vector.broadcast %jit3A_177 : i32 to vector<16xi32>
      %select_n3A_179 = arith.select %lt3A_172, %get3A_176, %broadcast_in_dim3A_178 : vector<16xi1>, vector<16xi32>
      %gather3A_180 = tpu.vector_load_idx %arg7[%select_n3A_179] : memref<10000xi32, #tpu.memory_space<vmem>>[vector<16xi32>], vector<16xi32>,
      %jit3A_181 = arith.constant 10000 : i32
      %broadcast_in_dim3A_182 = vector.broadcast %jit3A_181 : i32 to vector<16xi32>
      %select_n3A_183 = arith.select %lt3A_172, %gather3A_180, %broadcast_in_dim3A_182 : vector<16xi1>, vector<16xi32>
      %swap3A_184 = arith.constant 32 : index
      %swap3A_185 = tpu.vector_load %arg12[%swap3A_184] {strides = array<i32>} : memref<64xi32, #tpu.memory_space<vmem>>, vector<16xi32>,
      tpu.vector_store %arg12[%swap3A_184], %select_n3A_183 {strides = array<i32>} : memref<64xi32, #tpu.memory_space<vmem>>, vector<16xi32>,
      %add3A_186 = vector.broadcast %mul3A_0 : i32 to vector<16xi32>
      %add3A_187 = arith.addi %select_n3A_179, %add3A_186 : vector<16xi32>
      %jit3A_188 = arith.constant 0 : i32
      %broadcast_in_dim3A_189 = vector.broadcast %jit3A_188 : i32 to vector<16xi32>
      %select_n3A_190 = arith.select %lt3A_172, %add3A_187, %broadcast_in_dim3A_189 : vector<16xi1>, vector<16xi32>
      %swap3A_191 = arith.constant 32 : index
      %swap3A_192 = tpu.vector_load %arg11[%swap3A_191] {strides = array<i32>} : memref<64xi32, #tpu.memory_space<vmem>>, vector<16xi32>,
      tpu.vector_store %arg11[%swap3A_191], %select_n3A_190 {strides = array<i32>} : memref<64xi32, #tpu.memory_space<vmem>>, vector<16xi32>,
      %add3A_193 = arith.constant 48 : i32
      %add3A_194 = arith.addi %mul3A_119, %add3A_193 : i32
      %add3A_195 = vector.broadcast %add3A_194 : i32 to vector<16xi32>
      %add3A_196 = arith.addi %add3A_195, %iota3A : vector<16xi32>
      %lt3A_197 = vector.broadcast %scan3A_6#1 : i32 to vector<16xi32>
      %lt3A_198 = arith.cmpi slt, %add3A_196, %lt3A_197 : vector<16xi32>
      %add3A_199 = arith.constant 48 : i32
      %add3A_200 = arith.addi %mul3A_119, %add3A_199 : i32
      %get3A_201 = arith.index_cast %add3A_200 : i32 to index
      %get3A_202 = tpu.vector_load %arg10[%get3A_201] {strides = array<i32>} : memref<10048xi32, #tpu.memory_space<vmem>>, vector<16xi32>,
      %jit3A_203 = arith.constant 0 : i32
      %broadcast_in_dim3A_204 = vector.broadcast %jit3A_203 : i32 to vector<16xi32>
      %select_n3A_205 = arith.select %lt3A_198, %get3A_202, %broadcast_in_dim3A_204 : vector<16xi1>, vector<16xi32>
      %gather3A_206 = tpu.vector_load_idx %arg7[%select_n3A_205] : memref<10000xi32, #tpu.memory_space<vmem>>[vector<16xi32>], vector<16xi32>,
      %jit3A_207 = arith.constant 10000 : i32
      %broadcast_in_dim3A_208 = vector.broadcast %jit3A_207 : i32 to vector<16xi32>
      %select_n3A_209 = arith.select %lt3A_198, %gather3A_206, %broadcast_in_dim3A_208 : vector<16xi1>, vector<16xi32>
      %swap3A_210 = arith.constant 48 : index
      %swap3A_211 = tpu.vector_load %arg12[%swap3A_210] {strides = array<i32>} : memref<64xi32, #tpu.memory_space<vmem>>, vector<16xi32>,
      tpu.vector_store %arg12[%swap3A_210], %select_n3A_209 {strides = array<i32>} : memref<64xi32, #tpu.memory_space<vmem>>, vector<16xi32>,
      %add3A_212 = vector.broadcast %mul3A_0 : i32 to vector<16xi32>
      %add3A_213 = arith.addi %select_n3A_205, %add3A_212 : vector<16xi32>
      %jit3A_214 = arith.constant 0 : i32
      %broadcast_in_dim3A_215 = vector.broadcast %jit3A_214 : i32 to vector<16xi32>
      %select_n3A_216 = arith.select %lt3A_198, %add3A_213, %broadcast_in_dim3A_215 : vector<16xi1>, vector<16xi32>
      %swap3A_217 = arith.constant 48 : index
      %swap3A_218 = tpu.vector_load %arg11[%swap3A_217] {strides = array<i32>} : memref<64xi32, #tpu.memory_space<vmem>>, vector<16xi32>,
      tpu.vector_store %arg11[%swap3A_217], %select_n3A_216 {strides = array<i32>} : memref<64xi32, #tpu.memory_space<vmem>>, vector<16xi32>,
      %dma_start3A = arith.constant 0 : i32
      %dma_start3A_219 = arith.constant 0 : i32
      %dma_start3A_220 = tpu.memref_slice %arg2[%dma_start3A, %dma_start3A_219] : memref<161792x128xf32, #tpu.memory_space<hbm>> -> memref<161792x128xf32, #tpu.memory_space<hbm>>
      tpu.enqueue_indirect_dma source(%dma_start3A_220 : memref<161792x128xf32, #tpu.memory_space<hbm>>) target(%arg13 : memref<64x128xf32, #tpu.memory_space<vmem>>) offsets(%arg11 : memref<64xi32, #tpu.memory_space<vmem>>) semaphore(%arg15 : memref<!tpu.dma_semaphore, #tpu.memory_space<semaphore_mem>>)
      %dma_wait3A = arith.constant 0 : i32
      %dma_wait3A_221 = arith.constant 0 : i32
      %dma_wait3A_222 = tpu.memref_slice %arg2[%dma_wait3A, %dma_wait3A_221] : memref<161792x128xf32, #tpu.memory_space<hbm>> -> memref<161792x128xf32, #tpu.memory_space<hbm>>
      tpu.wait_indirect_dma semaphore(%arg15 : memref<!tpu.dma_semaphore, #tpu.memory_space<semaphore_mem>>) src(%dma_wait3A_222 : memref<161792x128xf32, #tpu.memory_space<hbm>>) dst(%arg13 : memref<64x128xf32, #tpu.memory_space<vmem>>)
      "tpu.region"() ({
        %run_scoped3A = tpu.sem_alloc : memref<!tpu.dma_semaphore, #tpu.memory_space<semaphore_mem>>
        %dma_start3A_224 = arith.constant 0 : i32
        %dma_start3A_225 = arith.constant 0 : i32
        %dma_start3A_226 = tpu.memref_slice %arg14[%dma_start3A_224, %dma_start3A_225] : memref<10112x128xf32, #tpu.memory_space<vmem_shared>> -> memref<10112x128xf32, #tpu.memory_space<vmem_shared>>
        tpu.enqueue_indirect_dma source(%arg13 : memref<64x128xf32, #tpu.memory_space<vmem>>) target(%dma_start3A_226 : memref<10112x128xf32, #tpu.memory_space<vmem_shared>>) offsets(%arg12 : memref<64xi32, #tpu.memory_space<vmem>>) semaphore(%run_scoped3A : memref<!tpu.dma_semaphore, #tpu.memory_space<semaphore_mem>>) {add = true}
        %dma_wait3A_227 = arith.constant 0 : i32
        %dma_wait3A_228 = arith.constant 0 : i32
        %dma_wait3A_229 = tpu.memref_slice %arg14[%dma_wait3A_227, %dma_wait3A_228] : memref<10112x128xf32, #tpu.memory_space<vmem_shared>> -> memref<10112x128xf32, #tpu.memory_space<vmem_shared>>
        tpu.wait_indirect_dma semaphore(%run_scoped3A : memref<!tpu.dma_semaphore, #tpu.memory_space<semaphore_mem>>) src(%arg13 : memref<64x128xf32, #tpu.memory_space<vmem>>) dst(%dma_wait3A_229 : memref<10112x128xf32, #tpu.memory_space<vmem_shared>>)
        tpu.yield
      }) : () -> ()
      %while3A_223 = arith.constant 0 : i32
      scf.yield %while3A_223 : i32
    }
    %while3A_97 = arith.constant 1 : i32
    %while3A_98 = scf.for %while3A_116 = %while3A_94 to %while3A_90 step %while3A_97 iter_args(%while3A_117 = %while3A_96) -> (i32)  : i32 {
      %mul3A_118 = arith.constant 64 : i32
      %mul3A_119 = arith.muli %while3A_116, %mul3A_118 : i32
      %add3A_120 = arith.constant 0 : i32
      %add3A_121 = arith.addi %mul3A_119, %add3A_120 : i32
      %add3A_122 = vector.broadcast %add3A_121 : i32 to vector<16xi32>
      %add3A_123 = arith.addi %add3A_122, %iota3A : vector<16xi32>
      %lt3A = vector.broadcast %scan3A_6#1 : i32 to vector<16xi32>
      %lt3A_124 = arith.cmpi slt, %add3A_123, %lt3A : vector<16xi32>
      %add3A_125 = arith.constant 0 : i32
      %add3A_126 = arith.addi %mul3A_119, %add3A_125 : i32
      %get3A = arith.index_cast %add3A_126 : i32 to index
      %get3A_127 = tpu.vector_load %arg10[%get3A] {strides = array<i32>} : memref<10048xi32, #tpu.memory_space<vmem>>, vector<16xi32>,
      %jit3A_128 = arith.constant 0 : i32
      %broadcast_in_dim3A = vector.broadcast %jit3A_128 : i32 to vector<16xi32>
      %select_n3A_129 = arith.select %lt3A_124, %get3A_127, %broadcast_in_dim3A : vector<16xi1>, vector<16xi32>
      %gather3A = tpu.vector_load_idx %arg7[%select_n3A_129] : memref<10000xi32, #tpu.memory_space<vmem>>[vector<16xi32>], vector<16xi32>,
      %jit3A_130 = arith.constant 10000 : i32
      %broadcast_in_dim3A_131 = vector.broadcast %jit3A_130 : i32 to vector<16xi32>
      %select_n3A_132 = arith.select %lt3A_124, %gather3A, %broadcast_in_dim3A_131 : vector<16xi1>, vector<16xi32>
      %swap3A = arith.constant 0 : index
      %swap3A_133 = tpu.vector_load %arg12[%swap3A] {strides = array<i32>} : memref<64xi32, #tpu.memory_space<vmem>>, vector<16xi32>,
      tpu.vector_store %arg12[%swap3A], %select_n3A_132 {strides = array<i32>} : memref<64xi32, #tpu.memory_space<vmem>>, vector<16xi32>,
      %add3A_134 = vector.broadcast %mul3A_0 : i32 to vector<16xi32>
      %add3A_135 = arith.addi %select_n3A_129, %add3A_134 : vector<16xi32>
      %jit3A_136 = arith.constant 0 : i32
      %broadcast_in_dim3A_137 = vector.broadcast %jit3A_136 : i32 to vector<16xi32>
      %select_n3A_138 = arith.select %lt3A_124, %add3A_135, %broadcast_in_dim3A_137 : vector<16xi1>, vector<16xi32>
      %swap3A_139 = arith.constant 0 : index
      %swap3A_140 = tpu.vector_load %arg11[%swap3A_139] {strides = array<i32>} : memref<64xi32, #tpu.memory_space<vmem>>, vector<16xi32>,
      tpu.vector_store %arg11[%swap3A_139], %select_n3A_138 {strides = array<i32>} : memref<64xi32, #tpu.memory_space<vmem>>, vector<16xi32>,
      %add3A_141 = arith.constant 16 : i32
      %add3A_142 = arith.addi %mul3A_119, %add3A_141 : i32
      %add3A_143 = vector.broadcast %add3A_142 : i32 to vector<16xi32>
      %add3A_144 = arith.addi %add3A_143, %iota3A : vector<16xi32>
      %lt3A_145 = vector.broadcast %scan3A_6#1 : i32 to vector<16xi32>
      %lt3A_146 = arith.cmpi slt, %add3A_144, %lt3A_145 : vector<16xi32>
      %add3A_147 = arith.constant 16 : i32
      %add3A_148 = arith.addi %mul3A_119, %add3A_147 : i32
      %get3A_149 = arith.index_cast %add3A_148 : i32 to index
      %get3A_150 = tpu.vector_load %arg10[%get3A_149] {strides = array<i32>} : memref<10048xi32, #tpu.memory_space<vmem>>, vector<16xi32>,
      %jit3A_151 = arith.constant 0 : i32
      %broadcast_in_dim3A_152 = vector.broadcast %jit3A_151 : i32 to vector<16xi32>
      %select_n3A_153 = arith.select %lt3A_146, %get3A_150, %broadcast_in_dim3A_152 : vector<16xi1>, vector<16xi32>
      %gather3A_154 = tpu.vector_load_idx %arg7[%select_n3A_153] : memref<10000xi32, #tpu.memory_space<vmem>>[vector<16xi32>], vector<16xi32>,
      %jit3A_155 = arith.constant 10000 : i32
      %broadcast_in_dim3A_156 = vector.broadcast %jit3A_155 : i32 to vector<16xi32>
      %select_n3A_157 = arith.select %lt3A_146, %gather3A_154, %broadcast_in_dim3A_156 : vector<16xi1>, vector<16xi32>
      %swap3A_158 = arith.constant 16 : index
      %swap3A_159 = tpu.vector_load %arg12[%swap3A_158] {strides = array<i32>} : memref<64xi32, #tpu.memory_space<vmem>>, vector<16xi32>,
      tpu.vector_store %arg12[%swap3A_158], %select_n3A_157 {strides = array<i32>} : memref<64xi32, #tpu.memory_space<vmem>>, vector<16xi32>,
      %add3A_160 = vector.broadcast %mul3A_0 : i32 to vector<16xi32>
      %add3A_161 = arith.addi %select_n3A_153, %add3A_160 : vector<16xi32>
      %jit3A_162 = arith.constant 0 : i32
      %broadcast_in_dim3A_163 = vector.broadcast %jit3A_162 : i32 to vector<16xi32>
      %select_n3A_164 = arith.select %lt3A_146, %add3A_161, %broadcast_in_dim3A_163 : vector<16xi1>, vector<16xi32>
      %swap3A_165 = arith.constant 16 : index
      %swap3A_166 = tpu.vector_load %arg11[%swap3A_165] {strides = array<i32>} : memref<64xi32, #tpu.memory_space<vmem>>, vector<16xi32>,
      tpu.vector_store %arg11[%swap3A_165], %select_n3A_164 {strides = array<i32>} : memref<64xi32, #tpu.memory_space<vmem>>, vector<16xi32>,
      %add3A_167 = arith.constant 32 : i32
      %add3A_168 = arith.addi %mul3A_119, %add3A_167 : i32
      %add3A_169 = vector.broadcast %add3A_168 : i32 to vector<16xi32>
      %add3A_170 = arith.addi %add3A_169, %iota3A : vector<16xi32>
      %lt3A_171 = vector.broadcast %scan3A_6#1 : i32 to vector<16xi32>
      %lt3A_172 = arith.cmpi slt, %add3A_170, %lt3A_171 : vector<16xi32>
      %add3A_173 = arith.constant 32 : i32
      %add3A_174 = arith.addi %mul3A_119, %add3A_173 : i32
      %get3A_175 = arith.index_cast %add3A_174 : i32 to index
      %get3A_176 = tpu.vector_load %arg10[%get3A_175] {strides = array<i32>} : memref<10048xi32, #tpu.memory_space<vmem>>, vector<16xi32>,
      %jit3A_177 = arith.constant 0 : i32
      %broadcast_in_dim3A_178 = vector.broadcast %jit3A_177 : i32 to vector<16xi32>
      %select_n3A_179 = arith.select %lt3A_172, %get3A_176, %broadcast_in_dim3A_178 : vector<16xi1>, vector<16xi32>
      %gather3A_180 = tpu.vector_load_idx %arg7[%select_n3A_179] : memref<10000xi32, #tpu.memory_space<vmem>>[vector<16xi32>], vector<16xi32>,
      %jit3A_181 = arith.constant 10000 : i32
      %broadcast_in_dim3A_182 = vector.broadcast %jit3A_181 : i32 to vector<16xi32>
      %select_n3A_183 = arith.select %lt3A_172, %gather3A_180, %broadcast_in_dim3A_182 : vector<16xi1>, vector<16xi32>
      %swap3A_184 = arith.constant 32 : index
      %swap3A_185 = tpu.vector_load %arg12[%swap3A_184] {strides = array<i32>} : memref<64xi32, #tpu.memory_space<vmem>>, vector<16xi32>,
      tpu.vector_store %arg12[%swap3A_184], %select_n3A_183 {strides = array<i32>} : memref<64xi32, #tpu.memory_space<vmem>>, vector<16xi32>,
      %add3A_186 = vector.broadcast %mul3A_0 : i32 to vector<16xi32>
      %add3A_187 = arith.addi %select_n3A_179, %add3A_186 : vector<16xi32>
      %jit3A_188 = arith.constant 0 : i32
      %broadcast_in_dim3A_189 = vector.broadcast %jit3A_188 : i32 to vector<16xi32>
      %select_n3A_190 = arith.select %lt3A_172, %add3A_187, %broadcast_in_dim3A_189 : vector<16xi1>, vector<16xi32>
      %swap3A_191 = arith.constant 32 : index
      %swap3A_192 = tpu.vector_load %arg11[%swap3A_191] {strides = array<i32>} : memref<64xi32, #tpu.memory_space<vmem>>, vector<16xi32>,
      tpu.vector_store %arg11[%swap3A_191], %select_n3A_190 {strides = array<i32>} : memref<64xi32, #tpu.memory_space<vmem>>, vector<16xi32>,
      %add3A_193 = arith.constant 48 : i32
      %add3A_194 = arith.addi %mul3A_119, %add3A_193 : i32
      %add3A_195 = vector.broadcast %add3A_194 : i32 to vector<16xi32>
      %add3A_196 = arith.addi %add3A_195, %iota3A : vector<16xi32>
      %lt3A_197 = vector.broadcast %scan3A_6#1 : i32 to vector<16xi32>
      %lt3A_198 = arith.cmpi slt, %add3A_196, %lt3A_197 : vector<16xi32>
      %add3A_199 = arith.constant 48 : i32
      %add3A_200 = arith.addi %mul3A_119, %add3A_199 : i32
      %get3A_201 = arith.index_cast %add3A_200 : i32 to index
      %get3A_202 = tpu.vector_load %arg10[%get3A_201] {strides = array<i32>} : memref<10048xi32, #tpu.memory_space<vmem>>, vector<16xi32>,
      %jit3A_203 = arith.constant 0 : i32
      %broadcast_in_dim3A_204 = vector.broadcast %jit3A_203 : i32 to vector<16xi32>
      %select_n3A_205 = arith.select %lt3A_198, %get3A_202, %broadcast_in_dim3A_204 : vector<16xi1>, vector<16xi32>
      %gather3A_206 = tpu.vector_load_idx %arg7[%select_n3A_205] : memref<10000xi32, #tpu.memory_space<vmem>>[vector<16xi32>], vector<16xi32>,
      %jit3A_207 = arith.constant 10000 : i32
      %broadcast_in_dim3A_208 = vector.broadcast %jit3A_207 : i32 to vector<16xi32>
      %select_n3A_209 = arith.select %lt3A_198, %gather3A_206, %broadcast_in_dim3A_208 : vector<16xi1>, vector<16xi32>
      %swap3A_210 = arith.constant 48 : index
      %swap3A_211 = tpu.vector_load %arg12[%swap3A_210] {strides = array<i32>} : memref<64xi32, #tpu.memory_space<vmem>>, vector<16xi32>,
      tpu.vector_store %arg12[%swap3A_210], %select_n3A_209 {strides = array<i32>} : memref<64xi32, #tpu.memory_space<vmem>>, vector<16xi32>,
      %add3A_212 = vector.broadcast %mul3A_0 : i32 to vector<16xi32>
      %add3A_213 = arith.addi %select_n3A_205, %add3A_212 : vector<16xi32>
      %jit3A_214 = arith.constant 0 : i32
      %broadcast_in_dim3A_215 = vector.broadcast %jit3A_214 : i32 to vector<16xi32>
      %select_n3A_216 = arith.select %lt3A_198, %add3A_213, %broadcast_in_dim3A_215 : vector<16xi1>, vector<16xi32>
      %swap3A_217 = arith.constant 48 : index
      %swap3A_218 = tpu.vector_load %arg11[%swap3A_217] {strides = array<i32>} : memref<64xi32, #tpu.memory_space<vmem>>, vector<16xi32>,
      tpu.vector_store %arg11[%swap3A_217], %select_n3A_216 {strides = array<i32>} : memref<64xi32, #tpu.memory_space<vmem>>, vector<16xi32>,
      %dma_start3A = arith.constant 0 : i32
      %dma_start3A_219 = arith.constant 0 : i32
      %dma_start3A_220 = tpu.memref_slice %arg2[%dma_start3A, %dma_start3A_219] : memref<161792x128xf32, #tpu.memory_space<hbm>> -> memref<161792x128xf32, #tpu.memory_space<hbm>>
      tpu.enqueue_indirect_dma source(%dma_start3A_220 : memref<161792x128xf32, #tpu.memory_space<hbm>>) target(%arg13 : memref<64x128xf32, #tpu.memory_space<vmem>>) offsets(%arg11 : memref<64xi32, #tpu.memory_space<vmem>>) semaphore(%arg15 : memref<!tpu.dma_semaphore, #tpu.memory_space<semaphore_mem>>)
      %dma_wait3A = arith.constant 0 : i32
      %dma_wait3A_221 = arith.constant 0 : i32
      %dma_wait3A_222 = tpu.memref_slice %arg2[%dma_wait3A, %dma_wait3A_221] : memref<161792x128xf32, #tpu.memory_space<hbm>> -> memref<161792x128xf32, #tpu.memory_space<hbm>>
      tpu.wait_indirect_dma semaphore(%arg15 : memref<!tpu.dma_semaphore, #tpu.memory_space<semaphore_mem>>) src(%dma_wait3A_222 : memref<161792x128xf32, #tpu.memory_space<hbm>>) dst(%arg13 : memref<64x128xf32, #tpu.memory_space<vmem>>)
      "tpu.region"() ({
        %run_scoped3A = tpu.sem_alloc : memref<!tpu.dma_semaphore, #tpu.memory_space<semaphore_mem>>
        %dma_start3A_224 = arith.constant 0 : i32
        %dma_start3A_225 = arith.constant 0 : i32
        %dma_start3A_226 = tpu.memref_slice %arg14[%dma_start3A_224, %dma_start3A_225] : memref<10112x128xf32, #tpu.memory_space<vmem_shared>> -> memref<10112x128xf32, #tpu.memory_space<vmem_shared>>
        tpu.enqueue_indirect_dma source(%arg13 : memref<64x128xf32, #tpu.memory_space<vmem>>) target(%dma_start3A_226 : memref<10112x128xf32, #tpu.memory_space<vmem_shared>>) offsets(%arg12 : memref<64xi32, #tpu.memory_space<vmem>>) semaphore(%run_scoped3A : memref<!tpu.dma_semaphore, #tpu.memory_space<semaphore_mem>>) {add = true}
        %dma_wait3A_227 = arith.constant 0 : i32
        %dma_wait3A_228 = arith.constant 0 : i32
        %dma_wait3A_229 = tpu.memref_slice %arg14[%dma_wait3A_227, %dma_wait3A_228] : memref<10112x128xf32, #tpu.memory_space<vmem_shared>> -> memref<10112x128xf32, #tpu.memory_space<vmem_shared>>
        tpu.wait_indirect_dma semaphore(%run_scoped3A : memref<!tpu.dma_semaphore, #tpu.memory_space<semaphore_mem>>) src(%arg13 : memref<64x128xf32, #tpu.memory_space<vmem>>) dst(%dma_wait3A_229 : memref<10112x128xf32, #tpu.memory_space<vmem_shared>>)
        tpu.yield
      }) : () -> ()
      %while3A_223 = arith.constant 0 : i32
      scf.yield %while3A_223 : i32
    }
    %barrier3A_99 = arith.constant 0 : index
    tpu.barrier barrier_id(%barrier3A_99)
    %mul3A_100 = arith.constant 2 : i32
    %mul3A_101 = arith.muli %mul3A_100, %arg0 : i32
    %add3A_102 = arith.constant 1 : i32
    %add3A_103 = arith.addi %mul3A_101, %add3A_102 : i32
    %mul3A_104 = arith.constant 624 : i32
    %mul3A_105 = arith.muli %arg1, %mul3A_104 : i32
    %mul3A_106 = arith.constant 10000 : i32
    %mul3A_107 = arith.muli %add3A_103, %mul3A_106 : i32
    %mul3A_108 = arith.constant 624 : i32
    %mul3A_109 = arith.muli %arg1, %mul3A_108 : i32
    %add3A_110 = arith.addi %mul3A_107, %mul3A_109 : i32
    "tpu.region"() ({
      %run_scoped3A = tpu.sem_alloc : memref<!tpu.dma_semaphore, #tpu.memory_space<semaphore_mem>>
      %dma_start3A = arith.constant 0 : i32
      %dma_start3A_116 = tpu.memref_slice %arg6[%add3A_110, %dma_start3A] : memref<40000x128xf32, #tpu.memory_space<hbm>> -> memref<624x128xf32, #tpu.memory_space<hbm>>
      %dma_start3A_117 = arith.constant 0 : i32
      %dma_start3A_118 = tpu.memref_slice %arg14[%mul3A_105, %dma_start3A_117] : memref<10112x128xf32, #tpu.memory_space<vmem_shared>> -> memref<624x128xf32, #tpu.memory_space<vmem_shared>>
      tpu.enqueue_dma source(%dma_start3A_118 : memref<624x128xf32, #tpu.memory_space<vmem_shared>>) target(%dma_start3A_116 : memref<624x128xf32, #tpu.memory_space<hbm>>) target_semaphore(%run_scoped3A : memref<!tpu.dma_semaphore, #tpu.memory_space<semaphore_mem>>)
      %dma_wait3A = arith.constant 0 : i32
      %dma_wait3A_119 = tpu.memref_slice %arg6[%add3A_110, %dma_wait3A] : memref<40000x128xf32, #tpu.memory_space<hbm>> -> memref<624x128xf32, #tpu.memory_space<hbm>>
      %dma_wait3A_120 = arith.constant 0 : i32
      %dma_wait3A_121 = tpu.memref_slice %arg14[%mul3A_105, %dma_wait3A_120] : memref<10112x128xf32, #tpu.memory_space<vmem_shared>> -> memref<624x128xf32, #tpu.memory_space<vmem_shared>>
      tpu.wait_dma2 semaphore(%run_scoped3A : memref<!tpu.dma_semaphore, #tpu.memory_space<semaphore_mem>>) src(%dma_wait3A_121 : memref<624x128xf32, #tpu.memory_space<vmem_shared>>) dst(%dma_wait3A_119 : memref<624x128xf32, #tpu.memory_space<hbm>>)
      tpu.yield
    }) : () -> ()
    %eq3A_111 = arith.constant 0 : i32
    %eq3A_112 = arith.cmpi eq, %arg1, %eq3A_111 : i32
    %convert_element_type3A_113 = arith.extui %eq3A_112 : i1 to i32
    %cond3A_114 = arith.constant 0 : i32
    %cond3A_115 = arith.cmpi ne, %convert_element_type3A_113, %cond3A_114 : i32
    scf.if %cond3A_115 {
      %mul3A_116 = arith.constant 10000 : i32
      %mul3A_117 = arith.muli %add3A_103, %mul3A_116 : i32
      %add3A_118 = arith.constant 9984 : i32
      %add3A_119 = arith.addi %mul3A_117, %add3A_118 : i32
      "tpu.region"() ({
        %run_scoped3A = tpu.sem_alloc : memref<!tpu.dma_semaphore, #tpu.memory_space<semaphore_mem>>
        %dma_start3A = arith.constant 0 : i32
        %dma_start3A_120 = tpu.memref_slice %arg6[%add3A_119, %dma_start3A] : memref<40000x128xf32, #tpu.memory_space<hbm>> -> memref<16x128xf32, #tpu.memory_space<hbm>>
        %dma_start3A_121 = arith.constant 9984 : i32
        %dma_start3A_122 = arith.constant 0 : i32
        %dma_start3A_123 = tpu.memref_slice %arg14[%dma_start3A_121, %dma_start3A_122] : memref<10112x128xf32, #tpu.memory_space<vmem_shared>> -> memref<16x128xf32, #tpu.memory_space<vmem_shared>>
        tpu.enqueue_dma source(%dma_start3A_123 : memref<16x128xf32, #tpu.memory_space<vmem_shared>>) target(%dma_start3A_120 : memref<16x128xf32, #tpu.memory_space<hbm>>) target_semaphore(%run_scoped3A : memref<!tpu.dma_semaphore, #tpu.memory_space<semaphore_mem>>)
        %dma_wait3A = arith.constant 0 : i32
        %dma_wait3A_124 = tpu.memref_slice %arg6[%add3A_119, %dma_wait3A] : memref<40000x128xf32, #tpu.memory_space<hbm>> -> memref<16x128xf32, #tpu.memory_space<hbm>>
        %dma_wait3A_125 = arith.constant 9984 : i32
        %dma_wait3A_126 = arith.constant 0 : i32
        %dma_wait3A_127 = tpu.memref_slice %arg14[%dma_wait3A_125, %dma_wait3A_126] : memref<10112x128xf32, #tpu.memory_space<vmem_shared>> -> memref<16x128xf32, #tpu.memory_space<vmem_shared>>
        tpu.wait_dma2 semaphore(%run_scoped3A : memref<!tpu.dma_semaphore, #tpu.memory_space<semaphore_mem>>) src(%dma_wait3A_127 : memref<16x128xf32, #tpu.memory_space<vmem_shared>>) dst(%dma_wait3A_124 : memref<16x128xf32, #tpu.memory_space<hbm>>)
        tpu.yield
      }) : () -> ()
    } else {
    }
    return
  }
}

module attributes {stable_mosaic.version = 14 : i64} {
  func.func @_feat_kernel(%arg0: i32, %arg1: memref<2048xf32, #tpu.memory_space<vmem>>, %arg2: memref<2048xf32, #tpu.memory_space<vmem>>, %arg3: memref<2048xf32, #tpu.memory_space<vmem>>, %arg4: memref<2048x128xf32, #tpu.memory_space<vmem>>) attributes {dimension_semantics = [#tpu.dimension_semantics<arbitrary>], iteration_bounds = array<i64: 79>, scalar_prefetch = 0 : i64, scratch_operands = 0 : i64, tpu.core_type = #tpu.core_type<tc>, window_params = [{transform_indices = @transform_0, window_bounds = array<i64: 2048>}, {transform_indices = @transform_1, window_bounds = array<i64: 2048>}, {transform_indices = @transform_2, window_bounds = array<i64: 2048>}, {transform_indices = @transform_3, window_bounds = array<i64: 2048, 128>}]} {
    %get3A = arith.constant 0 : index
    %get3A_0 = vector.load %arg1[%get3A] : memref<2048xf32, #tpu.memory_space<vmem>>, vector<2048xf32>
    %reshape3A = vector.shape_cast %get3A_0 : vector<2048xf32> to vector<2048x1xf32>
    %get3A_1 = arith.constant 0 : index
    %get3A_2 = vector.load %arg2[%get3A_1] : memref<2048xf32, #tpu.memory_space<vmem>>, vector<2048xf32>
    %reshape3A_3 = vector.shape_cast %get3A_2 : vector<2048xf32> to vector<2048x1xf32>
    %get3A_4 = arith.constant 0 : index
    %get3A_5 = vector.load %arg3[%get3A_4] : memref<2048xf32, #tpu.memory_space<vmem>>, vector<2048xf32>
    %reshape3A_6 = vector.shape_cast %get3A_5 : vector<2048xf32> to vector<2048x1xf32>
    %mul3A = arith.mulf %reshape3A, %reshape3A : vector<2048x1xf32>
    %mul3A_7 = arith.mulf %reshape3A_3, %reshape3A_3 : vector<2048x1xf32>
    %add3A = arith.addf %mul3A, %mul3A_7 : vector<2048x1xf32>
    %mul3A_8 = arith.mulf %reshape3A_6, %reshape3A_6 : vector<2048x1xf32>
    %add3A_9 = arith.addf %add3A, %mul3A_8 : vector<2048x1xf32>
    %sqrt3A = math.sqrt %add3A_9 : vector<2048x1xf32>
    %add3A_10 = arith.constant 9.99999996E-13 : f32
    %add3A_11 = vector.broadcast %add3A_10 : f32 to vector<2048x1xf32>
    %add3A_12 = arith.addf %sqrt3A, %add3A_11 : vector<2048x1xf32>
    %div3A = arith.constant 1.000000e+00 : f32
    %div3A_13 = vector.broadcast %div3A : f32 to vector<2048x1xf32>
    %div3A_14 = arith.divf %div3A_13, %add3A_12 : vector<2048x1xf32>
    %mul3A_15 = arith.mulf %reshape3A, %div3A_14 : vector<2048x1xf32>
    %mul3A_16 = arith.mulf %reshape3A_3, %div3A_14 : vector<2048x1xf32>
    %mul3A_17 = arith.mulf %reshape3A_6, %div3A_14 : vector<2048x1xf32>
    %iota3A = tpu.iota {dimensions = array<i32: 1>} : vector<1x128xi32>
    %jit3A = arith.constant 8 : i32
    %div3A_18 = vector.broadcast %jit3A : i32 to vector<1x128xi32>
    %div3A_19 = arith.divsi %iota3A, %div3A_18 : vector<1x128xi32>
    %sign3A = arith.constant 0 : i32
    %sign3A_20 = vector.broadcast %sign3A : i32 to vector<1x128xi32>
    %sign3A_21 = arith.cmpi sgt, %iota3A, %sign3A_20 : vector<1x128xi32>
    %sign3A_22 = arith.extui %sign3A_21 : vector<1x128xi1> to vector<1x128xi32>
    %sign3A_23 = arith.constant 0 : i32
    %sign3A_24 = vector.broadcast %sign3A_23 : i32 to vector<1x128xi32>
    %sign3A_25 = arith.cmpi slt, %iota3A, %sign3A_24 : vector<1x128xi32>
    %sign3A_26 = arith.extui %sign3A_25 : vector<1x128xi1> to vector<1x128xi32>
    %sign3A_27 = arith.subi %sign3A_22, %sign3A_26 : vector<1x128xi32>
    %sign3A_28 = arith.constant 0 : i32
    %sign3A_29 = arith.cmpi sgt, %jit3A, %sign3A_28 : i32
    %sign3A_30 = arith.extui %sign3A_29 : i1 to i32
    %sign3A_31 = arith.constant 0 : i32
    %sign3A_32 = arith.cmpi slt, %jit3A, %sign3A_31 : i32
    %sign3A_33 = arith.extui %sign3A_32 : i1 to i32
    %sign3A_34 = arith.subi %sign3A_30, %sign3A_33 : i32
    %ne3A = vector.broadcast %sign3A_34 : i32 to vector<1x128xi32>
    %ne3A_35 = arith.cmpi ne, %sign3A_27, %ne3A : vector<1x128xi32>
    %rem3A = vector.broadcast %jit3A : i32 to vector<1x128xi32>
    %rem3A_36 = arith.remsi %iota3A, %rem3A : vector<1x128xi32>
    %ne3A_37 = arith.constant 0 : i32
    %ne3A_38 = vector.broadcast %ne3A_37 : i32 to vector<1x128xi32>
    %ne3A_39 = arith.cmpi ne, %rem3A_36, %ne3A_38 : vector<1x128xi32>
    %and3A = arith.andi %ne3A_35, %ne3A_39 : vector<1x128xi1>
    %sub3A = arith.constant 1 : i32
    %sub3A_40 = vector.broadcast %sub3A : i32 to vector<1x128xi32>
    %sub3A_41 = arith.subi %div3A_19, %sub3A_40 : vector<1x128xi32>
    %select_n3A = arith.select %and3A, %sub3A_41, %div3A_19 : vector<1x128xi1>, vector<1x128xi32>
    %jit3A_42 = arith.constant 8 : i32
    %eq3A = arith.constant 0 : i32
    %eq3A_43 = arith.cmpi eq, %jit3A_42, %eq3A : i32
    %jit3A_44 = arith.constant 1 : i32
    %select_n3A_45 = arith.select %eq3A_43, %jit3A_44, %jit3A_42 : i32
    %rem3A_46 = vector.broadcast %select_n3A_45 : i32 to vector<1x128xi32>
    %rem3A_47 = arith.remsi %iota3A, %rem3A_46 : vector<1x128xi32>
    %ne3A_48 = arith.constant 0 : i32
    %ne3A_49 = vector.broadcast %ne3A_48 : i32 to vector<1x128xi32>
    %ne3A_50 = arith.cmpi ne, %rem3A_47, %ne3A_49 : vector<1x128xi32>
    %lt3A = arith.constant 0 : i32
    %lt3A_51 = vector.broadcast %lt3A : i32 to vector<1x128xi32>
    %lt3A_52 = arith.cmpi slt, %rem3A_47, %lt3A_51 : vector<1x128xi32>
    %lt3A_53 = arith.constant 0 : i32
    %lt3A_54 = arith.cmpi slt, %select_n3A_45, %lt3A_53 : i32
    %ne3A_55 = vector.broadcast %lt3A_54 : i1 to vector<1x128xi1>
    %ne3A_56 = vector.broadcast %ne3A_55 : vector<1x128xi1> to vector<1x128xi1>
    %ne3A_57 = arith.xori %lt3A_52, %ne3A_56 : vector<1x128xi1>
    %and3A_58 = arith.andi %ne3A_57, %ne3A_50 : vector<1x128xi1>
    %add3A_59 = vector.broadcast %select_n3A_45 : i32 to vector<1x128xi32>
    %add3A_60 = arith.addi %rem3A_47, %add3A_59 : vector<1x128xi32>
    %select_n3A_61 = arith.select %and3A_58, %add3A_60, %rem3A_47 : vector<1x128xi1>, vector<1x128xi32>
    %convert_element_type3A = arith.sitofp %select_n3A_61 : vector<1x128xi32> to vector<1x128xf32>
    %mul3A_62 = arith.constant 0.571428597 : f32
    %mul3A_63 = vector.broadcast %mul3A_62 : f32 to vector<1x128xf32>
    %mul3A_64 = arith.mulf %convert_element_type3A, %mul3A_63 : vector<1x128xf32>
    %sub3A_65 = vector.broadcast %sqrt3A : vector<2048x1xf32> to vector<2048x128xf32>
    %sub3A_66 = vector.broadcast %mul3A_64 : vector<1x128xf32> to vector<2048x128xf32>
    %sub3A_67 = arith.subf %sub3A_65, %sub3A_66 : vector<2048x128xf32>
    %integer_pow3A = arith.mulf %sub3A_67, %sub3A_67 : vector<2048x128xf32>
    %neg3A = arith.constant 0.000000e+00 : f32
    %neg3A_68 = vector.broadcast %neg3A : f32 to vector<2048x128xf32>
    %neg3A_69 = arith.subf %neg3A_68, %integer_pow3A : vector<2048x128xf32>
    %div3A_70 = arith.constant 5.000000e-01 : f32
    %div3A_71 = vector.broadcast %div3A_70 : f32 to vector<2048x128xf32>
    %div3A_72 = arith.divf %neg3A_69, %div3A_71 : vector<2048x128xf32>
    %exp3A = math.exp %div3A_72 : vector<2048x128xf32>
    %lt3A_73 = arith.constant 4.000000e+00 : f32
    %lt3A_74 = vector.broadcast %lt3A_73 : f32 to vector<2048x1xf32>
    %lt3A_75 = arith.cmpf olt, %sqrt3A, %lt3A_74 : vector<2048x1xf32>
    %mul3A_76 = arith.constant 3.14159274 : f32
    %mul3A_77 = vector.broadcast %mul3A_76 : f32 to vector<2048x1xf32>
    %mul3A_78 = arith.mulf %mul3A_77, %sqrt3A : vector<2048x1xf32>
    %div3A_79 = arith.constant 4.000000e+00 : f32
    %div3A_80 = vector.broadcast %div3A_79 : f32 to vector<2048x1xf32>
    %div3A_81 = arith.divf %mul3A_78, %div3A_80 : vector<2048x1xf32>
    %cos3A = math.cos %div3A_81 : vector<2048x1xf32>
    %add3A_82 = arith.constant 1.000000e+00 : f32
    %add3A_83 = vector.broadcast %add3A_82 : f32 to vector<2048x1xf32>
    %add3A_84 = arith.addf %cos3A, %add3A_83 : vector<2048x1xf32>
    %mul3A_85 = arith.constant 5.000000e-01 : f32
    %mul3A_86 = vector.broadcast %mul3A_85 : f32 to vector<2048x1xf32>
    %mul3A_87 = arith.mulf %mul3A_86, %add3A_84 : vector<2048x1xf32>
    %jit3A_88 = arith.constant 0.000000e+00 : f32
    %broadcast_in_dim3A = vector.broadcast %jit3A_88 : f32 to vector<2048x1xf32>
    %select_n3A_89 = arith.select %lt3A_75, %mul3A_87, %broadcast_in_dim3A : vector<2048x1xi1>, vector<2048x1xf32>
    %broadcast_in_dim3A_90 = arith.constant 1.000000e+00 : f32
    %broadcast_in_dim3A_91 = vector.broadcast %broadcast_in_dim3A_90 : f32 to vector<2048x1xf32>
    %mul3A_92 = arith.constant 0.282094806 : f32
    %mul3A_93 = vector.broadcast %mul3A_92 : f32 to vector<2048x1xf32>
    %mul3A_94 = arith.mulf %mul3A_93, %broadcast_in_dim3A_91 : vector<2048x1xf32>
    %mul3A_95 = arith.constant 0.488602519 : f32
    %mul3A_96 = vector.broadcast %mul3A_95 : f32 to vector<2048x1xf32>
    %mul3A_97 = arith.mulf %mul3A_96, %mul3A_16 : vector<2048x1xf32>
    %mul3A_98 = arith.constant 0.488602519 : f32
    %mul3A_99 = vector.broadcast %mul3A_98 : f32 to vector<2048x1xf32>
    %mul3A_100 = arith.mulf %mul3A_99, %mul3A_17 : vector<2048x1xf32>
    %mul3A_101 = arith.constant 0.488602519 : f32
    %mul3A_102 = vector.broadcast %mul3A_101 : f32 to vector<2048x1xf32>
    %mul3A_103 = arith.mulf %mul3A_102, %mul3A_15 : vector<2048x1xf32>
    %mul3A_104 = arith.constant 1.09254849 : f32
    %mul3A_105 = vector.broadcast %mul3A_104 : f32 to vector<2048x1xf32>
    %mul3A_106 = arith.mulf %mul3A_105, %mul3A_15 : vector<2048x1xf32>
    %mul3A_107 = arith.mulf %mul3A_106, %mul3A_16 : vector<2048x1xf32>
    %mul3A_108 = arith.constant 1.09254849 : f32
    %mul3A_109 = vector.broadcast %mul3A_108 : f32 to vector<2048x1xf32>
    %mul3A_110 = arith.mulf %mul3A_109, %mul3A_16 : vector<2048x1xf32>
    %mul3A_111 = arith.mulf %mul3A_110, %mul3A_17 : vector<2048x1xf32>
    %mul3A_112 = arith.constant 3.000000e+00 : f32
    %mul3A_113 = vector.broadcast %mul3A_112 : f32 to vector<2048x1xf32>
    %mul3A_114 = arith.mulf %mul3A_113, %mul3A_17 : vector<2048x1xf32>
    %mul3A_115 = arith.mulf %mul3A_114, %mul3A_17 : vector<2048x1xf32>
    %sub3A_116 = arith.constant 1.000000e+00 : f32
    %sub3A_117 = vector.broadcast %sub3A_116 : f32 to vector<2048x1xf32>
    %sub3A_118 = arith.subf %mul3A_115, %sub3A_117 : vector<2048x1xf32>
    %mul3A_119 = arith.constant 0.31539157 : f32
    %mul3A_120 = vector.broadcast %mul3A_119 : f32 to vector<2048x1xf32>
    %mul3A_121 = arith.mulf %mul3A_120, %sub3A_118 : vector<2048x1xf32>
    %mul3A_122 = arith.constant 1.09254849 : f32
    %mul3A_123 = vector.broadcast %mul3A_122 : f32 to vector<2048x1xf32>
    %mul3A_124 = arith.mulf %mul3A_123, %mul3A_15 : vector<2048x1xf32>
    %mul3A_125 = arith.mulf %mul3A_124, %mul3A_17 : vector<2048x1xf32>
    %mul3A_126 = arith.mulf %mul3A_15, %mul3A_15 : vector<2048x1xf32>
    %mul3A_127 = arith.mulf %mul3A_16, %mul3A_16 : vector<2048x1xf32>
    %sub3A_128 = arith.subf %mul3A_126, %mul3A_127 : vector<2048x1xf32>
    %mul3A_129 = arith.constant 0.546274245 : f32
    %mul3A_130 = vector.broadcast %mul3A_129 : f32 to vector<2048x1xf32>
    %mul3A_131 = arith.mulf %mul3A_130, %sub3A_128 : vector<2048x1xf32>
    %mul3A_132 = arith.constant 0.590043604 : f32
    %mul3A_133 = vector.broadcast %mul3A_132 : f32 to vector<2048x1xf32>
    %mul3A_134 = arith.mulf %mul3A_133, %mul3A_16 : vector<2048x1xf32>
    %mul3A_135 = arith.constant 3.000000e+00 : f32
    %mul3A_136 = vector.broadcast %mul3A_135 : f32 to vector<2048x1xf32>
    %mul3A_137 = arith.mulf %mul3A_136, %mul3A_15 : vector<2048x1xf32>
    %mul3A_138 = arith.mulf %mul3A_137, %mul3A_15 : vector<2048x1xf32>
    %mul3A_139 = arith.mulf %mul3A_16, %mul3A_16 : vector<2048x1xf32>
    %sub3A_140 = arith.subf %mul3A_138, %mul3A_139 : vector<2048x1xf32>
    %mul3A_141 = arith.mulf %mul3A_134, %sub3A_140 : vector<2048x1xf32>
    %mul3A_142 = arith.constant 2.89061141 : f32
    %mul3A_143 = vector.broadcast %mul3A_142 : f32 to vector<2048x1xf32>
    %mul3A_144 = arith.mulf %mul3A_143, %mul3A_15 : vector<2048x1xf32>
    %mul3A_145 = arith.mulf %mul3A_144, %mul3A_16 : vector<2048x1xf32>
    %mul3A_146 = arith.mulf %mul3A_145, %mul3A_17 : vector<2048x1xf32>
    %mul3A_147 = arith.constant 0.457045794 : f32
    %mul3A_148 = vector.broadcast %mul3A_147 : f32 to vector<2048x1xf32>
    %mul3A_149 = arith.mulf %mul3A_148, %mul3A_16 : vector<2048x1xf32>
    %mul3A_150 = arith.constant 5.000000e+00 : f32
    %mul3A_151 = vector.broadcast %mul3A_150 : f32 to vector<2048x1xf32>
    %mul3A_152 = arith.mulf %mul3A_151, %mul3A_17 : vector<2048x1xf32>
    %mul3A_153 = arith.mulf %mul3A_152, %mul3A_17 : vector<2048x1xf32>
    %sub3A_154 = arith.constant 1.000000e+00 : f32
    %sub3A_155 = vector.broadcast %sub3A_154 : f32 to vector<2048x1xf32>
    %sub3A_156 = arith.subf %mul3A_153, %sub3A_155 : vector<2048x1xf32>
    %mul3A_157 = arith.mulf %mul3A_149, %sub3A_156 : vector<2048x1xf32>
    %mul3A_158 = arith.constant 0.373176336 : f32
    %mul3A_159 = vector.broadcast %mul3A_158 : f32 to vector<2048x1xf32>
    %mul3A_160 = arith.mulf %mul3A_159, %mul3A_17 : vector<2048x1xf32>
    %mul3A_161 = arith.constant 5.000000e+00 : f32
    %mul3A_162 = vector.broadcast %mul3A_161 : f32 to vector<2048x1xf32>
    %mul3A_163 = arith.mulf %mul3A_162, %mul3A_17 : vector<2048x1xf32>
    %mul3A_164 = arith.mulf %mul3A_163, %mul3A_17 : vector<2048x1xf32>
    %sub3A_165 = arith.constant 3.000000e+00 : f32
    %sub3A_166 = vector.broadcast %sub3A_165 : f32 to vector<2048x1xf32>
    %sub3A_167 = arith.subf %mul3A_164, %sub3A_166 : vector<2048x1xf32>
    %mul3A_168 = arith.mulf %mul3A_160, %sub3A_167 : vector<2048x1xf32>
    %mul3A_169 = arith.constant 0.457045794 : f32
    %mul3A_170 = vector.broadcast %mul3A_169 : f32 to vector<2048x1xf32>
    %mul3A_171 = arith.mulf %mul3A_170, %mul3A_15 : vector<2048x1xf32>
    %mul3A_172 = arith.constant 5.000000e+00 : f32
    %mul3A_173 = vector.broadcast %mul3A_172 : f32 to vector<2048x1xf32>
    %mul3A_174 = arith.mulf %mul3A_173, %mul3A_17 : vector<2048x1xf32>
    %mul3A_175 = arith.mulf %mul3A_174, %mul3A_17 : vector<2048x1xf32>
    %sub3A_176 = arith.constant 1.000000e+00 : f32
    %sub3A_177 = vector.broadcast %sub3A_176 : f32 to vector<2048x1xf32>
    %sub3A_178 = arith.subf %mul3A_175, %sub3A_177 : vector<2048x1xf32>
    %mul3A_179 = arith.mulf %mul3A_171, %sub3A_178 : vector<2048x1xf32>
    %mul3A_180 = arith.constant 1.44530571 : f32
    %mul3A_181 = vector.broadcast %mul3A_180 : f32 to vector<2048x1xf32>
    %mul3A_182 = arith.mulf %mul3A_181, %mul3A_17 : vector<2048x1xf32>
    %mul3A_183 = arith.mulf %mul3A_15, %mul3A_15 : vector<2048x1xf32>
    %mul3A_184 = arith.mulf %mul3A_16, %mul3A_16 : vector<2048x1xf32>
    %sub3A_185 = arith.subf %mul3A_183, %mul3A_184 : vector<2048x1xf32>
    %mul3A_186 = arith.mulf %mul3A_182, %sub3A_185 : vector<2048x1xf32>
    %mul3A_187 = arith.constant 0.590043604 : f32
    %mul3A_188 = vector.broadcast %mul3A_187 : f32 to vector<2048x1xf32>
    %mul3A_189 = arith.mulf %mul3A_188, %mul3A_15 : vector<2048x1xf32>
    %mul3A_190 = arith.mulf %mul3A_15, %mul3A_15 : vector<2048x1xf32>
    %mul3A_191 = arith.constant 3.000000e+00 : f32
    %mul3A_192 = vector.broadcast %mul3A_191 : f32 to vector<2048x1xf32>
    %mul3A_193 = arith.mulf %mul3A_192, %mul3A_16 : vector<2048x1xf32>
    %mul3A_194 = arith.mulf %mul3A_193, %mul3A_16 : vector<2048x1xf32>
    %sub3A_195 = arith.subf %mul3A_190, %mul3A_194 : vector<2048x1xf32>
    %mul3A_196 = arith.mulf %mul3A_189, %sub3A_195 : vector<2048x1xf32>
    %broadcast_in_dim3A_197 = arith.constant 0.000000e+00 : f32
    %broadcast_in_dim3A_198 = vector.broadcast %broadcast_in_dim3A_197 : f32 to vector<2048x128xf32>
    %eq3A_199 = arith.constant 0 : i32
    %eq3A_200 = vector.broadcast %eq3A_199 : i32 to vector<1x128xi32>
    %eq3A_201 = arith.cmpi eq, %select_n3A, %eq3A_200 : vector<1x128xi32>
    %broadcast_in_dim3A_202 = vector.shape_cast %eq3A_201 : vector<1x128xi1> to vector<1x128xi1>
    %broadcast_in_dim3A_203 = vector.broadcast %broadcast_in_dim3A_202 : vector<1x128xi1> to vector<2048x128xi1>
    %broadcast_in_dim3A_204 = vector.shape_cast %mul3A_94 : vector<2048x1xf32> to vector<2048x1xf32>
    %broadcast_in_dim3A_205 = vector.broadcast %broadcast_in_dim3A_204 : vector<2048x1xf32> to vector<2048x128xf32>
    %select_n3A_206 = arith.select %broadcast_in_dim3A_203, %broadcast_in_dim3A_205, %broadcast_in_dim3A_198 : vector<2048x128xi1>, vector<2048x128xf32>
    %eq3A_207 = arith.constant 1 : i32
    %eq3A_208 = vector.broadcast %eq3A_207 : i32 to vector<1x128xi32>
    %eq3A_209 = arith.cmpi eq, %select_n3A, %eq3A_208 : vector<1x128xi32>
    %broadcast_in_dim3A_210 = vector.shape_cast %eq3A_209 : vector<1x128xi1> to vector<1x128xi1>
    %broadcast_in_dim3A_211 = vector.broadcast %broadcast_in_dim3A_210 : vector<1x128xi1> to vector<2048x128xi1>
    %broadcast_in_dim3A_212 = vector.shape_cast %mul3A_97 : vector<2048x1xf32> to vector<2048x1xf32>
    %broadcast_in_dim3A_213 = vector.broadcast %broadcast_in_dim3A_212 : vector<2048x1xf32> to vector<2048x128xf32>
    %select_n3A_214 = arith.select %broadcast_in_dim3A_211, %broadcast_in_dim3A_213, %select_n3A_206 : vector<2048x128xi1>, vector<2048x128xf32>
    %eq3A_215 = arith.constant 2 : i32
    %eq3A_216 = vector.broadcast %eq3A_215 : i32 to vector<1x128xi32>
    %eq3A_217 = arith.cmpi eq, %select_n3A, %eq3A_216 : vector<1x128xi32>
    %broadcast_in_dim3A_218 = vector.shape_cast %eq3A_217 : vector<1x128xi1> to vector<1x128xi1>
    %broadcast_in_dim3A_219 = vector.broadcast %broadcast_in_dim3A_218 : vector<1x128xi1> to vector<2048x128xi1>
    %broadcast_in_dim3A_220 = vector.shape_cast %mul3A_100 : vector<2048x1xf32> to vector<2048x1xf32>
    %broadcast_in_dim3A_221 = vector.broadcast %broadcast_in_dim3A_220 : vector<2048x1xf32> to vector<2048x128xf32>
    %select_n3A_222 = arith.select %broadcast_in_dim3A_219, %broadcast_in_dim3A_221, %select_n3A_214 : vector<2048x128xi1>, vector<2048x128xf32>
    %eq3A_223 = arith.constant 3 : i32
    %eq3A_224 = vector.broadcast %eq3A_223 : i32 to vector<1x128xi32>
    %eq3A_225 = arith.cmpi eq, %select_n3A, %eq3A_224 : vector<1x128xi32>
    %broadcast_in_dim3A_226 = vector.shape_cast %eq3A_225 : vector<1x128xi1> to vector<1x128xi1>
    %broadcast_in_dim3A_227 = vector.broadcast %broadcast_in_dim3A_226 : vector<1x128xi1> to vector<2048x128xi1>
    %broadcast_in_dim3A_228 = vector.shape_cast %mul3A_103 : vector<2048x1xf32> to vector<2048x1xf32>
    %broadcast_in_dim3A_229 = vector.broadcast %broadcast_in_dim3A_228 : vector<2048x1xf32> to vector<2048x128xf32>
    %select_n3A_230 = arith.select %broadcast_in_dim3A_227, %broadcast_in_dim3A_229, %select_n3A_222 : vector<2048x128xi1>, vector<2048x128xf32>
    %eq3A_231 = arith.constant 4 : i32
    %eq3A_232 = vector.broadcast %eq3A_231 : i32 to vector<1x128xi32>
    %eq3A_233 = arith.cmpi eq, %select_n3A, %eq3A_232 : vector<1x128xi32>
    %broadcast_in_dim3A_234 = vector.shape_cast %eq3A_233 : vector<1x128xi1> to vector<1x128xi1>
    %broadcast_in_dim3A_235 = vector.broadcast %broadcast_in_dim3A_234 : vector<1x128xi1> to vector<2048x128xi1>
    %broadcast_in_dim3A_236 = vector.shape_cast %mul3A_107 : vector<2048x1xf32> to vector<2048x1xf32>
    %broadcast_in_dim3A_237 = vector.broadcast %broadcast_in_dim3A_236 : vector<2048x1xf32> to vector<2048x128xf32>
    %select_n3A_238 = arith.select %broadcast_in_dim3A_235, %broadcast_in_dim3A_237, %select_n3A_230 : vector<2048x128xi1>, vector<2048x128xf32>
    %eq3A_239 = arith.constant 5 : i32
    %eq3A_240 = vector.broadcast %eq3A_239 : i32 to vector<1x128xi32>
    %eq3A_241 = arith.cmpi eq, %select_n3A, %eq3A_240 : vector<1x128xi32>
    %broadcast_in_dim3A_242 = vector.shape_cast %eq3A_241 : vector<1x128xi1> to vector<1x128xi1>
    %broadcast_in_dim3A_243 = vector.broadcast %broadcast_in_dim3A_242 : vector<1x128xi1> to vector<2048x128xi1>
    %broadcast_in_dim3A_244 = vector.shape_cast %mul3A_111 : vector<2048x1xf32> to vector<2048x1xf32>
    %broadcast_in_dim3A_245 = vector.broadcast %broadcast_in_dim3A_244 : vector<2048x1xf32> to vector<2048x128xf32>
    %select_n3A_246 = arith.select %broadcast_in_dim3A_243, %broadcast_in_dim3A_245, %select_n3A_238 : vector<2048x128xi1>, vector<2048x128xf32>
    %eq3A_247 = arith.constant 6 : i32
    %eq3A_248 = vector.broadcast %eq3A_247 : i32 to vector<1x128xi32>
    %eq3A_249 = arith.cmpi eq, %select_n3A, %eq3A_248 : vector<1x128xi32>
    %broadcast_in_dim3A_250 = vector.shape_cast %eq3A_249 : vector<1x128xi1> to vector<1x128xi1>
    %broadcast_in_dim3A_251 = vector.broadcast %broadcast_in_dim3A_250 : vector<1x128xi1> to vector<2048x128xi1>
    %broadcast_in_dim3A_252 = vector.shape_cast %mul3A_121 : vector<2048x1xf32> to vector<2048x1xf32>
    %broadcast_in_dim3A_253 = vector.broadcast %broadcast_in_dim3A_252 : vector<2048x1xf32> to vector<2048x128xf32>
    %select_n3A_254 = arith.select %broadcast_in_dim3A_251, %broadcast_in_dim3A_253, %select_n3A_246 : vector<2048x128xi1>, vector<2048x128xf32>
    %eq3A_255 = arith.constant 7 : i32
    %eq3A_256 = vector.broadcast %eq3A_255 : i32 to vector<1x128xi32>
    %eq3A_257 = arith.cmpi eq, %select_n3A, %eq3A_256 : vector<1x128xi32>
    %broadcast_in_dim3A_258 = vector.shape_cast %eq3A_257 : vector<1x128xi1> to vector<1x128xi1>
    %broadcast_in_dim3A_259 = vector.broadcast %broadcast_in_dim3A_258 : vector<1x128xi1> to vector<2048x128xi1>
    %broadcast_in_dim3A_260 = vector.shape_cast %mul3A_125 : vector<2048x1xf32> to vector<2048x1xf32>
    %broadcast_in_dim3A_261 = vector.broadcast %broadcast_in_dim3A_260 : vector<2048x1xf32> to vector<2048x128xf32>
    %select_n3A_262 = arith.select %broadcast_in_dim3A_259, %broadcast_in_dim3A_261, %select_n3A_254 : vector<2048x128xi1>, vector<2048x128xf32>
    %eq3A_263 = arith.constant 8 : i32
    %eq3A_264 = vector.broadcast %eq3A_263 : i32 to vector<1x128xi32>
    %eq3A_265 = arith.cmpi eq, %select_n3A, %eq3A_264 : vector<1x128xi32>
    %broadcast_in_dim3A_266 = vector.shape_cast %eq3A_265 : vector<1x128xi1> to vector<1x128xi1>
    %broadcast_in_dim3A_267 = vector.broadcast %broadcast_in_dim3A_266 : vector<1x128xi1> to vector<2048x128xi1>
    %broadcast_in_dim3A_268 = vector.shape_cast %mul3A_131 : vector<2048x1xf32> to vector<2048x1xf32>
    %broadcast_in_dim3A_269 = vector.broadcast %broadcast_in_dim3A_268 : vector<2048x1xf32> to vector<2048x128xf32>
    %select_n3A_270 = arith.select %broadcast_in_dim3A_267, %broadcast_in_dim3A_269, %select_n3A_262 : vector<2048x128xi1>, vector<2048x128xf32>
    %eq3A_271 = arith.constant 9 : i32
    %eq3A_272 = vector.broadcast %eq3A_271 : i32 to vector<1x128xi32>
    %eq3A_273 = arith.cmpi eq, %select_n3A, %eq3A_272 : vector<1x128xi32>
    %broadcast_in_dim3A_274 = vector.shape_cast %eq3A_273 : vector<1x128xi1> to vector<1x128xi1>
    %broadcast_in_dim3A_275 = vector.broadcast %broadcast_in_dim3A_274 : vector<1x128xi1> to vector<2048x128xi1>
    %broadcast_in_dim3A_276 = vector.shape_cast %mul3A_141 : vector<2048x1xf32> to vector<2048x1xf32>
    %broadcast_in_dim3A_277 = vector.broadcast %broadcast_in_dim3A_276 : vector<2048x1xf32> to vector<2048x128xf32>
    %select_n3A_278 = arith.select %broadcast_in_dim3A_275, %broadcast_in_dim3A_277, %select_n3A_270 : vector<2048x128xi1>, vector<2048x128xf32>
    %eq3A_279 = arith.constant 10 : i32
    %eq3A_280 = vector.broadcast %eq3A_279 : i32 to vector<1x128xi32>
    %eq3A_281 = arith.cmpi eq, %select_n3A, %eq3A_280 : vector<1x128xi32>
    %broadcast_in_dim3A_282 = vector.shape_cast %eq3A_281 : vector<1x128xi1> to vector<1x128xi1>
    %broadcast_in_dim3A_283 = vector.broadcast %broadcast_in_dim3A_282 : vector<1x128xi1> to vector<2048x128xi1>
    %broadcast_in_dim3A_284 = vector.shape_cast %mul3A_146 : vector<2048x1xf32> to vector<2048x1xf32>
    %broadcast_in_dim3A_285 = vector.broadcast %broadcast_in_dim3A_284 : vector<2048x1xf32> to vector<2048x128xf32>
    %select_n3A_286 = arith.select %broadcast_in_dim3A_283, %broadcast_in_dim3A_285, %select_n3A_278 : vector<2048x128xi1>, vector<2048x128xf32>
    %eq3A_287 = arith.constant 11 : i32
    %eq3A_288 = vector.broadcast %eq3A_287 : i32 to vector<1x128xi32>
    %eq3A_289 = arith.cmpi eq, %select_n3A, %eq3A_288 : vector<1x128xi32>
    %broadcast_in_dim3A_290 = vector.shape_cast %eq3A_289 : vector<1x128xi1> to vector<1x128xi1>
    %broadcast_in_dim3A_291 = vector.broadcast %broadcast_in_dim3A_290 : vector<1x128xi1> to vector<2048x128xi1>
    %broadcast_in_dim3A_292 = vector.shape_cast %mul3A_157 : vector<2048x1xf32> to vector<2048x1xf32>
    %broadcast_in_dim3A_293 = vector.broadcast %broadcast_in_dim3A_292 : vector<2048x1xf32> to vector<2048x128xf32>
    %select_n3A_294 = arith.select %broadcast_in_dim3A_291, %broadcast_in_dim3A_293, %select_n3A_286 : vector<2048x128xi1>, vector<2048x128xf32>
    %eq3A_295 = arith.constant 12 : i32
    %eq3A_296 = vector.broadcast %eq3A_295 : i32 to vector<1x128xi32>
    %eq3A_297 = arith.cmpi eq, %select_n3A, %eq3A_296 : vector<1x128xi32>
    %broadcast_in_dim3A_298 = vector.shape_cast %eq3A_297 : vector<1x128xi1> to vector<1x128xi1>
    %broadcast_in_dim3A_299 = vector.broadcast %broadcast_in_dim3A_298 : vector<1x128xi1> to vector<2048x128xi1>
    %broadcast_in_dim3A_300 = vector.shape_cast %mul3A_168 : vector<2048x1xf32> to vector<2048x1xf32>
    %broadcast_in_dim3A_301 = vector.broadcast %broadcast_in_dim3A_300 : vector<2048x1xf32> to vector<2048x128xf32>
    %select_n3A_302 = arith.select %broadcast_in_dim3A_299, %broadcast_in_dim3A_301, %select_n3A_294 : vector<2048x128xi1>, vector<2048x128xf32>
    %eq3A_303 = arith.constant 13 : i32
    %eq3A_304 = vector.broadcast %eq3A_303 : i32 to vector<1x128xi32>
    %eq3A_305 = arith.cmpi eq, %select_n3A, %eq3A_304 : vector<1x128xi32>
    %broadcast_in_dim3A_306 = vector.shape_cast %eq3A_305 : vector<1x128xi1> to vector<1x128xi1>
    %broadcast_in_dim3A_307 = vector.broadcast %broadcast_in_dim3A_306 : vector<1x128xi1> to vector<2048x128xi1>
    %broadcast_in_dim3A_308 = vector.shape_cast %mul3A_179 : vector<2048x1xf32> to vector<2048x1xf32>
    %broadcast_in_dim3A_309 = vector.broadcast %broadcast_in_dim3A_308 : vector<2048x1xf32> to vector<2048x128xf32>
    %select_n3A_310 = arith.select %broadcast_in_dim3A_307, %broadcast_in_dim3A_309, %select_n3A_302 : vector<2048x128xi1>, vector<2048x128xf32>
    %eq3A_311 = arith.constant 14 : i32
    %eq3A_312 = vector.broadcast %eq3A_311 : i32 to vector<1x128xi32>
    %eq3A_313 = arith.cmpi eq, %select_n3A, %eq3A_312 : vector<1x128xi32>
    %broadcast_in_dim3A_314 = vector.shape_cast %eq3A_313 : vector<1x128xi1> to vector<1x128xi1>
    %broadcast_in_dim3A_315 = vector.broadcast %broadcast_in_dim3A_314 : vector<1x128xi1> to vector<2048x128xi1>
    %broadcast_in_dim3A_316 = vector.shape_cast %mul3A_186 : vector<2048x1xf32> to vector<2048x1xf32>
    %broadcast_in_dim3A_317 = vector.broadcast %broadcast_in_dim3A_316 : vector<2048x1xf32> to vector<2048x128xf32>
    %select_n3A_318 = arith.select %broadcast_in_dim3A_315, %broadcast_in_dim3A_317, %select_n3A_310 : vector<2048x128xi1>, vector<2048x128xf32>
    %eq3A_319 = arith.constant 15 : i32
    %eq3A_320 = vector.broadcast %eq3A_319 : i32 to vector<1x128xi32>
    %eq3A_321 = arith.cmpi eq, %select_n3A, %eq3A_320 : vector<1x128xi32>
    %broadcast_in_dim3A_322 = vector.shape_cast %eq3A_321 : vector<1x128xi1> to vector<1x128xi1>
    %broadcast_in_dim3A_323 = vector.broadcast %broadcast_in_dim3A_322 : vector<1x128xi1> to vector<2048x128xi1>
    %broadcast_in_dim3A_324 = vector.shape_cast %mul3A_196 : vector<2048x1xf32> to vector<2048x1xf32>
    %broadcast_in_dim3A_325 = vector.broadcast %broadcast_in_dim3A_324 : vector<2048x1xf32> to vector<2048x128xf32>
    %select_n3A_326 = arith.select %broadcast_in_dim3A_323, %broadcast_in_dim3A_325, %select_n3A_318 : vector<2048x128xi1>, vector<2048x128xf32>
    %mul3A_327 = arith.mulf %select_n3A_326, %exp3A : vector<2048x128xf32>
    %mul3A_328 = vector.broadcast %select_n3A_89 : vector<2048x1xf32> to vector<2048x128xf32>
    %mul3A_329 = arith.mulf %mul3A_327, %mul3A_328 : vector<2048x128xf32>
    %swap3A = arith.constant 0 : index
    %swap3A_330 = arith.constant 0 : index
    %swap3A_331 = vector.load %arg4[%swap3A, %swap3A_330] : memref<2048x128xf32, #tpu.memory_space<vmem>>, vector<2048x128xf32>
    tpu.vector_store %arg4[%swap3A, %swap3A_330], %mul3A_329 {strides = array<i32>} : memref<2048x128xf32, #tpu.memory_space<vmem>>, vector<2048x128xf32>,
    return
  }
  func.func @transform_0(%arg0: i32) -> i32 {
    %c0_i32 = arith.constant 0 : i32
    return %arg0 : i32
  }
  func.func @transform_1(%arg0: i32) -> i32 {
    %c0_i32 = arith.constant 0 : i32
    return %arg0 : i32
  }
  func.func @transform_2(%arg0: i32) -> i32 {
    %c0_i32 = arith.constant 0 : i32
    return %arg0 : i32
  }
  func.func @transform_3(%arg0: i32) -> (i32, i32) {
    %c0_i32 = arith.constant 0 : i32
    %c0_i32_0 = arith.constant 0 : i32
    return %arg0, %c0_i32 : i32, i32
  }
}

module attributes {stable_mosaic.version = 14 : i64} {
  func.func @_mix_kernel(%arg0: i32, %arg1: memref<4x400x128xf32, #tpu.memory_space<vmem>>, %arg2: memref<512x512xf32, #tpu.memory_space<vmem>>, %arg3: memref<400x512xf32, #tpu.memory_space<vmem>>) attributes {dimension_semantics = [#tpu.dimension_semantics<arbitrary>], iteration_bounds = array<i64: 25>, scalar_prefetch = 0 : i64, scratch_operands = 0 : i64, tpu.core_type = #tpu.core_type<tc>, window_params = [{transform_indices = @transform_0, window_bounds = array<i64: 4, 400, 128>}, {pipeline_mode = #tpu.pipeline_mode<synchronous>, transform_indices = @transform_1, window_bounds = array<i64: 512, 512>}, {transform_indices = @transform_2, window_bounds = array<i64: 400, 512>}]} {
    %get3A = arith.constant 0 : index
    %get3A_0 = arith.constant 0 : index
    %get3A_1 = arith.constant 0 : index
    %get3A_2 = vector.load %arg1[%get3A, %get3A_0, %get3A_1] : memref<4x400x128xf32, #tpu.memory_space<vmem>>, vector<1x400x128xf32>
    %get3A_3 = vector.shape_cast %get3A_2 : vector<1x400x128xf32> to vector<400x128xf32>
    %get3A_4 = arith.constant 1 : index
    %get3A_5 = arith.constant 0 : index
    %get3A_6 = arith.constant 0 : index
    %get3A_7 = vector.load %arg1[%get3A_4, %get3A_5, %get3A_6] : memref<4x400x128xf32, #tpu.memory_space<vmem>>, vector<1x400x128xf32>
    %get3A_8 = vector.shape_cast %get3A_7 : vector<1x400x128xf32> to vector<400x128xf32>
    %get3A_9 = arith.constant 2 : index
    %get3A_10 = arith.constant 0 : index
    %get3A_11 = arith.constant 0 : index
    %get3A_12 = vector.load %arg1[%get3A_9, %get3A_10, %get3A_11] : memref<4x400x128xf32, #tpu.memory_space<vmem>>, vector<1x400x128xf32>
    %get3A_13 = vector.shape_cast %get3A_12 : vector<1x400x128xf32> to vector<400x128xf32>
    %get3A_14 = arith.constant 3 : index
    %get3A_15 = arith.constant 0 : index
    %get3A_16 = arith.constant 0 : index
    %get3A_17 = vector.load %arg1[%get3A_14, %get3A_15, %get3A_16] : memref<4x400x128xf32, #tpu.memory_space<vmem>>, vector<1x400x128xf32>
    %get3A_18 = vector.shape_cast %get3A_17 : vector<1x400x128xf32> to vector<400x128xf32>
    %concatenate3A = tpu.concatenate %get3A_3, %get3A_8, %get3A_13, %get3A_18 in 1 : vector<400x128xf32>, vector<400x128xf32>, vector<400x128xf32>, vector<400x128xf32> -> vector<400x512xf32>
    %get3A_19 = arith.constant 0 : index
    %get3A_20 = arith.constant 0 : index
    %get3A_21 = vector.load %arg2[%get3A_19, %get3A_20] : memref<512x512xf32, #tpu.memory_space<vmem>>, vector<512x512xf32>
    %dot_general3A = arith.constant dense<0.000000e+00> : vector<400x512xf32>
    %dot_general3A_22 = tpu.matmul %concatenate3A, %get3A_21, %dot_general3A {dimension_numbers = #tpu.dot_dimension_numbers<[1], [0], [0], [1], [0, 0, 1, 1], [], []>, transpose_lhs_hint = false} : vector<400x512xf32>, vector<512x512xf32>, vector<400x512xf32> -> vector<400x512xf32>
    %swap3A = arith.constant 0 : index
    %swap3A_23 = arith.constant 0 : index
    %swap3A_24 = vector.load %arg3[%swap3A, %swap3A_23] : memref<400x512xf32, #tpu.memory_space<vmem>>, vector<400x512xf32>
    tpu.vector_store %arg3[%swap3A, %swap3A_23], %dot_general3A_22 {strides = array<i32>} : memref<400x512xf32, #tpu.memory_space<vmem>>, vector<400x512xf32>,
    return
  }
  func.func @transform_0(%arg0: i32) -> (i32, i32, i32) {
    %c0_i32 = arith.constant 0 : i32
    %c0_i32_0 = arith.constant 0 : i32
    %c0_i32_1 = arith.constant 0 : i32
    return %c0_i32, %arg0, %c0_i32_0 : i32, i32, i32
  }
  func.func @transform_1(%arg0: i32) -> (i32, i32) {
    %c0_i32 = arith.constant 0 : i32
    %c0_i32_0 = arith.constant 0 : i32
    %c0_i32_1 = arith.constant 0 : i32
    return %c0_i32, %c0_i32_0 : i32, i32
  }
  func.func @transform_2(%arg0: i32) -> (i32, i32) {
    %c0_i32 = arith.constant 0 : i32
    %c0_i32_0 = arith.constant 0 : i32
    return %arg0, %c0_i32 : i32, i32
  }
}

</mosaic_0001>

<sc_bundles>
// kernel: kernel.5.cloned.1.call-start
scs
__scs_entry_jumppad:
0x0: {  	(pc) =	sbr.rel $0x88, $3  }
0x1: {  	(tag) =	ssettag $0x0;
	lr =	simm.s32 $0x1  }
0x2: {  	[smem:$0x3F9D] =	sst lr;
	_ =	strace $0xD0000000  }
0x3: {  	_ = 	snop  }
0x4: {  	_ = 	snop  }
0x5: {  	_ = 	snop  }
0x6: {  	_ = 	snop  }
0x7: {  	_ = 	snop  }
__scs_overlays_trampoline_lowered:
0x8: {  	[smem:$0x3FAC] =	sst s0  }
0x9: {  	[smem:$0x3FAD] =	sst s1  }
0xa: {  	[smem:$0x3FAE] =	sst s2  }
0xb: {  	[smem:$0x3FAF] =	sst s3  }
0xc: {  	[smem:$0x3FB0] =	sst s4  }
0xd: {  	[smem:$0x3FB1] =	sst s5  }
0xe: {  	[smem:$0x3FB2] =	sst s6  }
0xf: {  	[smem:$0x3FB3] =	sst s7  }
0x10: {  	[smem:$0x3FB4] =	sst s8  }
0x11: {  	[smem:$0x3FB5] =	sst s9;
	s0 =	simm.s32 @!p0 $0x0  }
0x12: {  	s1 =	sld [smem:$0x3F9B];
	s0 =	simm.s32 @p0 $0x1  }
0x13: {  	[smem:$0x3FB6] =	sst s0;
	s0 =	simm.s32 @!p1 $0x0  }
0x14: {  	s2 =	sld [smem:$0x3F9A];
	s0 =	simm.s32 @p1 $0x1  }
0x15: {  	[smem:$0x3FB7] =	sst s0;
	s0 =	simm.s32 @!p2 $0x0  }
0x16: {  	s3 =	sld [smem:$0x3FDB];
	s0 =	simm.s32 @p2 $0x1  }
0x17: {  	s4 =	simm.s32 $0x1BF5;
	[smem:$0x3FB9] =	sst s0  }
0x18: {  	s0 =	sld [smem:$0x3F9C];
	_ =	swait.ge [sflag:s4], $0x0  }
0x19: {  	s7 =	sld [smem:$0x3F9D]  }
0x1a: {  	s8 =	sadd.s32 $0xFFFFE003, lr  }
0x1b: {  	s9 =	sadd.s32 $0xFFFFFEF7, lr;
	s5 =	simm.s32 $0xFFFFFFFF;
	p2 =	slt.u32 s8, $0xFFFFF086  }
0x1c: {  	p1 =	slt.u32 s9, $0xF7A;
	s5 =	simm.s32 @!p2 $0x0  }
0x1d: {  	s5 =	simm.s32 @p1 $0x1;
	p0 =	seq.s32 s7, s2  }
0x1e: {  	s7 =	smul.u32 @!p0 $0xF7A, s2;
	p2 =	seq.s32 @!p0 s5, $0x0  }
0x1f: {  	s9 =	smul.u32 $0xF7A, s1;
	s8 =	simm.s32 @!p0 $0x1BF5;
	p2 =	por !p2, p0  }
0x20: {  	[sflag:s8] =	ssyncset.s32 @!p0 $0xFFFFF086;
	s6 =	sadd.s32 @!p0 s3, s7;
	s7 =	simm.s32 @!p0 $0x108  }
0x21: {  	s3 =	sadd.s32 s3, s9;
	s6 =	sadd.s32 @!p0 $0x88, s6;
	s7 =	simm.s32 @p2 $0x1082  }
0x22: {  	[simem:s7], [sflag:s8] =	dma.local @!p0 [hbm:s6], $0xF7A  }
0x23: {  	s9 =	sor.u32 $0xD0000000, s2;
	s6 =	simm.s32 $0x108;
	_ =	swait.ge @!p0 [sflag:s8], $0x0  }
0x24: {  	s3 =	sadd.s32 $0x88, s3;
	s6 =	simm.s32 @!p1 $0x1082;
	[sflag:s4] =	ssyncset.s32 $0xFFFFF086  }
0x25: {  	[simem:s6], [sflag:s4] =	dma.local [hbm:s3], $0xF7A  }
0x26: {  	[smem:$0x3F9D] =	sst s1;
	(tag) =	ssettag s2;
	_ =	strace s9  }
0x27: {  	s1 =	sld [smem:$0x3FAD]  }
0x28: {  	s2 =	sld [smem:$0x3FAE]  }
0x29: {  	s4 =	sld [smem:$0x3FB0]  }
0x2a: {  	p0 =	seq.s32 s5, $0x0;
	s5 =	sld [smem:$0x3FB1]  }
0x2b: {  	s6 =	sld [smem:$0x3FB2]  }
0x2c: {  	s7 =	sld [smem:$0x3FB3]  }
0x2d: {  	s3 =	simm.s32 $0x108;
	s8 =	sld [smem:$0x3FB4]  }
0x2e: {  	s3 =	simm.s32 @!p0 $0x1082;
	s9 =	sld [smem:$0x3FB5]  }
0x2f: {  	lr =	sadd.s32 s0, s3;
	s0 =	sld [smem:$0x3FAC]  }
0x30: {  	s3 =	sld [smem:$0x3FAF]  }
0x31: {  	[smem:$0x3FB8] =	sst s10  }
0x32: {  	s10 =	sld [smem:$0x3FB6];
	_ =	sdelay $0x3  }
0x33: {  	p0 =	seq.s32 s10, $0x1;
	s10 =	sld [smem:$0x3FB8];
	_ =	sdelay $0x3  }
0x34: {  	[smem:$0x3FB8] =	sst s10  }
0x35: {  	s10 =	sld [smem:$0x3FB7];
	_ =	sdelay $0x3  }
0x36: {  	p1 =	seq.s32 s10, $0x1;
	s10 =	sld [smem:$0x3FB8];
	_ =	sdelay $0x3  }
0x37: {  	[smem:$0x3FB8] =	sst s10  }
0x38: {  	s10 =	sld [smem:$0x3FB9]  }
0x39: {  	_ = 	snop;
	(pc) =	sbr.ind lr, $3  }
0x3a: {  	_ = 	snop  }
0x3b: {  	_ = 	snop  }
0x3c: {  	p2 =	seq.s32 s10, $0x1;
	s10 =	sld [smem:$0x3FB8]  }
0x3d: {  	_ =	shalt  }
0x3e: {  	_ =	shalt  }
0x3f: {  	_ =	shalt  }
0x40: {  	_ =	shalt  }
0x41: {  	_ =	shalt  }
0x42: {  	_ =	shalt  }
0x43: {  	_ =	shalt  }
0x44: {  	_ =	shalt  }
0x45: {  	_ =	shalt  }
0x46: {  	_ =	shalt  }
0x47: {  	_ =	shalt  }
0x48: {  	_ =	shalt  }
0x49: {  	_ =	shalt  }
0x4a: {  	_ =	shalt  }
0x4b: {  	_ =	shalt  }
0x4c: {  	_ =	shalt  }
0x4d: {  	_ =	shalt  }
0x4e: {  	_ =	shalt  }
0x4f: {  	_ =	shalt  }
0x50: {  	_ =	shalt  }
0x51: {  	_ =	shalt  }
0x52: {  	_ =	shalt  }
0x53: {  	_ =	shalt  }
0x54: {  	_ =	shalt  }
0x55: {  	_ =	shalt  }
0x56: {  	_ =	shalt  }
0x57: {  	_ =	shalt  }
0x58: {  	_ =	shalt  }
0x59: {  	_ =	shalt  }
0x5a: {  	_ =	shalt  }
0x5b: {  	_ =	shalt  }
0x5c: {  	_ =	shalt  }
0x5d: {  	_ =	shalt  }
0x5e: {  	_ =	shalt  }
0x5f: {  	_ =	shalt  }
0x60: {  	_ =	shalt  }
0x61: {  	_ =	shalt  }
0x62: {  	_ =	shalt  }
0x63: {  	_ =	shalt  }
0x64: {  	_ =	shalt  }
0x65: {  	_ =	shalt  }
0x66: {  	_ =	shalt  }
0x67: {  	_ =	shalt  }
0x68: {  	_ =	shalt  }
0x69: {  	_ =	shalt  }
0x6a: {  	_ =	shalt  }
0x6b: {  	_ =	shalt  }
0x6c: {  	_ =	shalt  }
0x6d: {  	_ =	shalt  }
0x6e: {  	_ =	shalt  }
0x6f: {  	_ =	shalt  }
0x70: {  	_ =	shalt  }
0x71: {  	_ =	shalt  }
0x72: {  	_ =	shalt  }
0x73: {  	_ =	shalt  }
0x74: {  	_ =	shalt  }
0x75: {  	_ =	shalt  }
0x76: {  	_ =	shalt  }
0x77: {  	_ =	shalt  }
0x78: {  	_ =	shalt  }
0x79: {  	_ =	shalt  }
0x7a: {  	_ =	shalt  }
0x7b: {  	_ =	shalt  }
0x7c: {  	_ =	shalt  }
0x7d: {  	_ =	shalt  }
0x7e: {  	_ =	shalt  }
0x7f: {  	_ =	shalt  }
0x80: {  	_ =	shalt  }
0x81: {  	_ =	shalt  }
0x82: {  	_ =	shalt  }
0x83: {  	_ =	shalt  }
0x84: {  	_ =	shalt  }
0x85: {  	_ =	shalt  }
0x86: {  	_ =	shalt  }
0x87: {  	_ =	shalt  }
.Lfunc_end0:
.L_simem_size_0:
called_computation_lowered:
.L_overlay_start_0:
0x88: {  	s2 =	sld [smem:$0x3FD9]  }
0x89: {  	s3 =	sld [smem:$0x3FFE];
	_ =	sdelay $0x1  }
0x8a: {  	s1 =	srdreg.scid  }
0x8b: {  	s0 =	sand.u32 $0x1, s1  }
0x8c: {  	s17 =	sshll.u32 s0, $0xA;
	s2 =	sadd.s32 s3, s2  }
0x8d: {  	s2 =	sadd.s32 s2, s17  }
0x8e: {  	[smem:$0x3FC4] =	sst s2  }
0x8f: {  	_ = 	snop  }
0x90: {  	s2 =	sld [smem:$0x3FC8]  }
0x91: {  	s18 =	sld [smem:$0x3FC7]  }
0x92: {  	s4 =	sld [smem:$0x3FD0];
	(tm) =	ssettm $0x1  }
0x93: {  	s5 =	sld [smem:$0x3FFB];
	_ =	sdelay $0x3  }
0x94: {  	_ =	strace s5  }
0x95: {  	s5 =	sld [smem:$0x3FFC];
	_ =	sdelay $0x3  }
0x96: {  	_ =	strace s5  }
0x97: {  	s5 =	sld [smem:$0x3FFD];
	_ =	sdelay $0x3  }
0x98: {  	_ =	strace s5  }
0x99: {  	_ =	strace $0x8FFFFFFF  }
0x9a: {  	s19 =	sld [smem:$0x3FDB];
	_ =	sdelay $0x1  }
0x9b: {  	s6 =	simm.s32 $_scs_section_size  }
0x9c: {  	s7 =	simm.s32 $_size__tile_overlayer_lowered;
	s8 =	simm.s32 $_tile_overlayer_lowered  }
0x9d: {  	s22 =	simm.s32 $0x1BFF;
	s21 =	sshll.u32 s8, $0x1;
	s5 =	sadd.s32 s6, s19  }
0x9e: {  	s9 =	simm.s32 $0x0;
	s20 =	sshll.u32 s7, $0x1;
	s7 =	sadd.s32 s21, s5  }
0x9f: {  	[timem:s9], [sflag:s22] =	dma.local [hbm:s7], s20  }
0xa0: {  	_ =	swait.ge [sflag:s22], s20  }
0xa1: {  	s6 =	ssub.s32 $0x0, s20;
	[sflag:s22] =	ssyncset.done $0x0  }
0xa2: {  	[sflag:s22] =	ssyncadd.s32 s6;
	_ =	sdelay $0x1  }
0xa3: {  	s23 =	simm.s32 $0x1B8B  }
0xa4: {  	_ =	swait.ge [sflag:s23], $0x1  }
0xa5: {  	[sflag:s23] =	ssyncset.done $0x0  }
0xa6: {  	s25 =	simm.s32 $0x1B8E;
	s24 =	sld [smem:$0x3FFE];
	[sflag:s23] =	ssyncadd.s32 $0xFFFFFFFF  }
0xa7: {  	s26 =	simm.s32 $execute0_lowered;
	[smem:$0x3FD2] =	sst s25  }
0xa8: {  	s7 =	sshll.u32 s26, $0x1;
	_ =	strace $0x80000046;
	[dreg:$0x1] =	wrdreg $0xFFFFFFFF  }
0xa9: {  	s28 =	simm.s32 $_size_execute0_lowered;
	s5 =	sadd.s32 s5, s7;
	[dreg:$0x0] =	wrdreg $0x0  }
0xaa: {  	s7 =	sshll.u32 s28, $0x1;
	[dreg:$0x2] =	wrdreg s5  }
0xab: {  	[dreg:$0x3] =	wrdreg s7  }
0xac: {  	[dreg:$0x4] =	wrdreg $0xC0  }
0xad: {  	_ =	task [dreg:s9], $0x5FFFF  }
0xae: {  	[dreg:$0x1] =	wrdreg $0xFFFFFFFF  }
0xaf: {  	[dreg:$0x0] =	wrdreg $0x60  }
0xb0: {  	[dreg:$0x2] =	wrdreg s24  }
0xb1: {  	[dreg:$0x3] =	wrdreg s2  }
0xb2: {  	[dreg:$0x4] =	wrdreg s18  }
0xb3: {  	[dreg:$0x5] =	wrdreg s4  }
0xb4: {  	[dreg:$0x6] =	wrdreg $0xBF000  }
0xb5: {  	[dreg:$0x7] =	wrdreg $0x9  }
0xb6: {  	_ =	task.clear_ibuf [dreg:s9], $0x8FFFF;
	_ =	strace $0x90000046  }
0xb7: {  	s29 =	simm.s32 $0x9;
	_ =	strace $0x80000048  }
0xb8: {  	_ =	swait.ge [sflag:s29], $0x1  }
0xb9: {  	[sflag:s29] =	ssyncadd.s32 $0xFFFFFFFF  }
0xba: {  	_ =	strace $0x90000048  }
0xbb: {  	_ =	sfence  }
0xbc: {  	s30 =	sld [smem:$0x0];
	_ =	sdelay $0x2  }
0xbd: {  	s31 =	sshll.u32 s1, $0xD;
	s1 =	sshrl.u32 s1, $0x2  }
0xbe: {  	s3 =	sand.u32 $0x4000, s31;
	s1 =	sadd.s32 s1, s30  }
0xbf: {  	s0 =	sor.u32 s3, s0;
	s1 =	sshll.u32 s1, $0x11  }
0xc0: {  	s0 =	sor.u32 s1, s0  }
0xc1: {  	s0 =	sadd.s32 $0x8F2B, s0  }
0xc2: {  	[sflag:s0] =	ssyncadd.remote.s32 $0x1  }
0xc3: {  	_ =	sfence.sel $0xFFFF  }
0xc4: {  	[dreg:$0x0] =	wrdreg $0xFFFFFFFF;
	(pc) =	sbr.abs _section_cstart, $3  }
0xc5: {  	[dreg:$0x1] =	wrdreg $0xFFFFFFFF  }
0xc6: {  	_ =	task.clear_ibuf [dreg:s9], $0x2FFFF;
	_ =	strace $0x9FFFFFFF  }
0xc7: {  	(tm) =	ssettm $0x7FFFFFFF  }
tec
execute0_lowered:
.L_overlay_start_1:
0x0: {  	(tag) =	ssettag $0x1  }
0x1: {  	s1 =	rddreg [dreg:$0x0]  }
0x2: {  	s0 =	rddreg [dreg:$0x1]  }
0x3: {  	s7 =	rddreg [dreg:$0x2]  }
0x4: {  	s11 =	rddreg [dreg:$0x3]  }
0x5: {  	s2 =	rddreg [dreg:$0x4];
	s3 =	simm.s32 $0x0  }
0x6: {  	s5 =	srdreg.scid;
	s4 =	stileid.u32;
	s16 =	simm.s32 $0x2  }
0x7: {  	s17 =	simm.s32 $0x4F00;
	s18 =	simm.s32 $0x7680;
	s23 =	smul.u32 $0x2710, s4  }
0x8: {  	s19 =	simm.s32 $0x1;
	s22 =	simm.s32 $0x9F00;
	s9 =	smul.u32 $0x4F000, s4  }
0x9: {  	s24 =	simm.s32 $0x0;
	[smem:$0x7FF] =	sst s3;
	s12 =	smul.u32 $0x270, s4  }
0xa: {  	s8 =	sand.u32 $0x1, s5;
	s5 =	sadd.s32 $0x278000, s1;
	s13 =	smul.u32 $0x4E000, s4  }
0xb: {  	p0 =	sne.s32 s4, $0x0;
	_ =	strace $0x80000047;
	s26 =	smul.u32 $0x4E20, s8  }
0xc: {  	s6 =	ssub.s32 $0x2, s8;
	s20 =	sshll.u32 s8, $0x1;
	s28 =	smul.u32 $0x271000, s8  }
0xd: {  	s21 =	sshllo.u32 s8, $0x1;
	s10 =	sshrl.u32 s6, $0x1;
	s25 =	sshrl.u32 s23, $0x3  }
0xe: {  	s9 =	sshrl.u32 s9, $0x2;
	s29 =	sshrl.u32 s13, $0x2;
	v0 =	vmov s20;
	s20 =	simm.s32 $0x40  }
0xf: {  	v1 =	vmov s21;
	s21 =	simm.s32 $0x9E00;
	v2 =	vmov s23;
	s23 =	simm.s32 $0x9E80;
	s15 =	ssub.s32 s6, s10  }
.Ltmp0:
0x10: {  	s6 =	sadd.s32 s0, s25;
	s7 =	sadd.s32 s7, s25;
	(pc) =	sbr.rel .LBB2_1-.Ltmp0, $4  }
0x11: {  	s8 =	sadd.s32 s9, s2;
	s0 =	sadd.s32 s12, s26;
	s30 =	sshrl.u32 s28, $0x3  }
0x12: {  	s9 =	sadd.s32 s29, s2;
	s0 =	sshll.u32 s0, $0x4;
	s31 =	sadd.s32 s11, s30  }
0x13: {  	s15 =	smax.u32 s15, $0x1;
	s10 =	sadd.s32 s11, s0;
	s11 =	sadd.s32 $0x138000, s2  }
0x14: {  	v3 =	vlaneseq.u32;
	v4 =	vimm.s32 $0x0;
	s12 =	sadd.s32 $0x27000, s31;
	s14 =	sadd.s32 $0x4E100, s31;
	s13 =	sadd.s32 $0x27100, s10  }
.LBB2_9:
0x15: {  	[bflag:$0x0] =	sbarrier.arrive $0xFFFF  }
0x16: {  	[hbm:s13], [sflag:s25] =	dma.local [spmem:s30], $0x2700  }
0x17: {  	s24 =	sadd.s32 $0x1, s24;
	_ =	swait.ge [sflag:s16], $0x2700  }
0x18: {  	p1 =	sne.s32 s24, s15;
	[sflag:s16] =	ssyncset.done $0x0  }
.Ltmp1:
0x19: {  	[sflag:s16] =	ssyncadd.s32 $0xFFFFD900;
	(pc) =	sbr.rel @!p1 .LBB2_10-.Ltmp1, $4  }
0x1a: {  	[hbm:s14], [sflag:s25] =	dma.local @!p0 [spmem:s31], $0x100  }
0x1b: {  	_ =	swait.ge @!p0 [sflag:s29], $0x100  }
0x1c: {  	[sflag:s29] =	ssyncset.done @!p0 $0x0  }
0x1d: {  	[sflag:s29] =	ssyncadd.s32 @!p0 $0xFFFFFF00  }
.LBB2_1:
0x1e: {  	[tilespmem:s3], [sflag:$0x2] =	stream.linear.gather [hbm4b:s6+s3], $0x2710, $0x38;
	[tilespmem:$0x1FB00] =	vst v63  }
0x1f: {  	_ =	swait.ge [sflag:s16], $0x2710  }
0x20: {  	[sflag:s16] =	ssyncset.done $0x0  }
0x21: {  	s0 =	simm.s32 $0x2780;
	[sflag:s16] =	ssyncadd.s32 $0xFFFFD8F0  }
0x22: {  	[tilespmem:s0], [sflag:$0x2] =	stream.linear.gather [hbm4b:s7+s3], $0x2710, $0x38;
	[tilespmem:$0x1FB00] =	vst v63  }
0x23: {  	_ =	swait.ge [sflag:s16], $0x2710  }
0x24: {  	[sflag:s16] =	ssyncset.done $0x0  }
0x25: {  	[sflag:s16] =	ssyncadd.s32 $0xFFFFD8F0  }
0x26: {  	v5 =	vld [tilespmem:s0+$0x0];
	_ =	sdelay $0x4  }
0x27: {  	vm0 =	veq.s32 v5, v0  }
0x28: {  	vm1 =	veq.s32 v5, v1;
	v5 =	vsel vm0, $0x1, v4  }
0x29: {  	v6 =	vsel vm1, $0x1, v4;
	(xrf0) =	vadd.scan.msk.s32 $0xffff, v5  }
0x2a: {  	(xrf0) =	vadd.scan.msk.s32 $0xffff, v6;
	_ =	sdelay $0x1  }
0x2b: {  	v5 =	vmov s3  }
0x2c: {  	v5 =	vadd.s32 $0xFFFFFFFF, v5  }
0x2d: {  	v5 =	vbroadcast v5, $0x0  }
0x2e: {  	v6, _, _ =	vpop (xrf0)  }
0x2f: {  	v7 =	vadd.s32 v6, v5;
	v8, _, _ =	vpop (xrf0);
	(v2sf) =	vpush v6, $0xF  }
0x30: {  	v5 =	vadd.s32 v8, v5;
	(v2sf) =	vpush v8, $0xF;
	_ =	sdelay $0x2  }
0x31: {  	v9 =	vor.u32 s3, v3  }
0x32: {  	[tilespmem:v7+s17+$0x0] =	vst.idx.msk vm0, v9  }
0x33: {  	s25 =	simm.s32 $0x10;
	s29 =	simm.s32 $0x2790;
	[tilespmem:v5+s18+$0x0] =	vst.idx.msk vm1, v9  }
0x34: {  	s28 =	simm.s32 $0x0;
	s26 =	simm.s32 $0x0;
	s0 =	simm.s32 $0x20;
	v5 =	vld [tilespmem:s29+$0x0]  }
.LBB2_2:
0x35: {  	p1 =	sne.s32 s0, $0x2700;
	_ =	sdelay $0x3  }
0x36: {  	vm1 =	veq.s32 v5, v0;
	vm0 =	veq.s32 v5, v1  }
0x37: {  	v5 =	vsel vm1, $0x1, v4  }
0x38: {  	v6 =	vsel vm0, $0x1, v4;
	(xrf0) =	vadd.scan.msk.s32 $0xffff, v5  }
0x39: {  	(xrf0) =	vadd.scan.msk.s32 $0xffff, v6;
	s30 =	spop (v2sf)  }
0x3a: {  	s28 =	sadd.s32 s28, s30;
	s30 =	spop (v2sf)  }
0x3b: {  	v5 =	vmov s28;
	s26 =	sadd.s32 s26, s30  }
0x3c: {  	v5 =	vadd.s32 $0xFFFFFFFF, v5;
	v6 =	vmov s26  }
0x3d: {  	v5 =	vbroadcast v5, $0x0;
	v6 =	vadd.s32 $0xFFFFFFFF, v6  }
0x3e: {  	v6 =	vbroadcast v6, $0x0;
	v7, _, _ =	vpop (xrf0)  }
0x3f: {  	v5 =	vadd.s32 v7, v5;
	v8, _, _ =	vpop (xrf0);
	(v2sf) =	vpush v7, $0xF  }
0x40: {  	v6 =	vadd.s32 v8, v6;
	(v2sf) =	vpush v8, $0xF;
	_ =	sdelay $0x1  }
.Ltmp2:
0x41: {  	(pc) =	sbr.rel @p1 .LBB2_2-.Ltmp2, $4  }
0x42: {  	v7 =	vor.u32 s25, v3;
	s25 =	smov.u32 s0  }
0x43: {  	[tilespmem:v5+s17+$0x0] =	vst.idx.msk vm1, v7  }
0x44: {  	s29 =	sadd.s32 $0x10, s29;
	[tilespmem:v6+s18+$0x0] =	vst.idx.msk vm0, v7  }
0x45: {  	s0 =	sadd.s32 $0x10, s0;
	v5 =	vld [tilespmem:s29+$0x0]  }
0x46: {  	_ =	sdelay $0x3  }
0x47: {  	vm0 =	veq.s32 v5, v0  }
0x48: {  	vm1 =	veq.s32 v5, v1;
	v5 =	vsel vm0, $0x1, v4  }
0x49: {  	v6 =	vsel vm1, $0x1, v4;
	(xrf0) =	vadd.scan.msk.s32 $0xffff, v5  }
0x4a: {  	(xrf0) =	vadd.scan.msk.s32 $0xffff, v6;
	_ =	sdelay $0x4  }
0x4b: {  	v5, _, _ =	vpop (xrf0)  }
0x4c: {  	v6, _, _ =	vpop (xrf0);
	(v2sf) =	vpush v5, $0xF  }
0x4d: {  	(v2sf) =	vpush v6, $0xF;
	_ =	sdelay $0x2  }
0x4e: {  	s0 =	spop (v2sf)  }
0x4f: {  	s29 =	spop (v2sf);
	s0 =	sadd.s32 s28, s0  }
0x50: {  	v7 =	vmov s0;
	s26 =	sadd.s32 s26, s29  }
0x51: {  	v7 =	vadd.s32 $0xFFFFFFFF, v7;
	v8 =	vmov s26  }
0x52: {  	v7 =	vbroadcast v7, $0x0;
	v8 =	vadd.s32 $0xFFFFFFFF, v8  }
0x53: {  	v8 =	vbroadcast v8, $0x0  }
0x54: {  	v5 =	vadd.s32 v5, v7  }
0x55: {  	v6 =	vadd.s32 v6, v8;
	_ =	sdelay $0x2  }
0x56: {  	s4 =	stileid.u32;
	v7 =	vor.u32 s25, v3  }
0x57: {  	s31 =	sshll.u32 s4, $0x6;
	[tilespmem:v5+s17+$0x0] =	vst.idx.msk vm0, v7;
	s30 =	spop (v2sf)  }
0x58: {  	s28 =	sshrl.u32 s8, $0x3;
	[tilespmem:v6+s18+$0x0] =	vst.idx.msk vm1, v7;
	s0 =	sadd.s32 s0, s30;
	s30 =	spop (v2sf)  }
0x59: {  	s25 =	sor.u32 $0x1C02, s31;
	[bflag:$0x0] =	sbarrier.arrive $0xFFFF;
	s29 =	sadd.s32 $0x3F, s0  }
0x5a: {  	[spmem:s28], [sflag:s25] =	dma.local [hbm:s5], $0x2780  }
0x5b: {  	s31 =	sand.u32 $0x3F, s29  }
0x5c: {  	s4 =	sshra.s32 s29, $0x1F;
	p2 =	slt.s32 s29, $0x1;
	p1 =	sne.s32 s31, $0x0  }
0x5d: {  	s31 =	sshrl.u32 s4, $0x1A;
	p1 =	por !p2, !p1  }
0x5e: {  	s29 =	sadd.s32 s31, s29;
	s31 =	simm.s32 $0x1;
	p1 =	por !p1, !p1  }
0x5f: {  	s29 =	sshra.s32 s29, $0x6;
	s31 =	simm.s32 @!p1 $0x0  }
0x60: {  	s29 =	ssub.s32 s29, s31  }
0x61: {  	p1 =	slt.s32 s29, $0x1  }
.Ltmp3:
0x62: {  	_ =	swait.ge [sflag:s16], $0x2780;
	(pc) =	sbr.rel @p1 .LBB2_6-.Ltmp3, $4  }
0x63: {  	[sflag:s16] =	ssyncset.done $0x0  }
0x64: {  	[sflag:s16] =	ssyncadd.s32 $0xFFFFD880  }
0x65: {  	[bflag:$0x0] =	sbarrier.arrive $0xFFFF  }
0x66: {  	s26 =	sadd.s32 s26, s30  }
0x67: {  	v5 =	vmov s0;
	s30 =	simm.s32 $0x0;
	s31 =	simm.s32 $0x4F20  }
.LBB2_5:
0x68: {  	v6 =	vld [tilespmem:s31+$0xFFFFFFE0];
	_ =	sdelay $0x2  }
0x69: {  	v7 =	vor.u32 s30, v3  }
0x6a: {  	vm0 =	vlt.s32 v7, v5  }
0x6b: {  	v7 =	vnsel vm0, $0x0, v6;
	_ =	sdelay $0x4  }
0x6c: {  	v7 =	vld.idx.msk [tilespmem:v7+s3+$0x0], $0xffff;
	_ =	sdelay $0x2  }
0x6d: {  	v6 =	vadd.s32 v2, v6  }
0x6e: {  	v6 =	vnsel vm0, $0x0, v6  }
0x6f: {  	[tilespmem:$0x9E00] =	vst v6;
	v7 =	vnsel vm0, $0x2710, v7  }
0x70: {  	[tilespmem:$0x9E80] =	vst v7  }
0x71: {  	v6 =	vld [tilespmem:s31+$0xFFFFFFF0];
	_ =	sdelay $0x1  }
0x72: {  	s0 =	sadd.s32 $0x10, s30  }
0x73: {  	v7 =	vor.u32 s0, v3  }
0x74: {  	vm13 =	vlt.s32 v7, v5  }
0x75: {  	v7 =	vnsel vm13, $0x0, v6;
	_ =	sdelay $0x4  }
0x76: {  	v7 =	vld.idx.msk [tilespmem:v7+s3+$0x0], $0xffff;
	_ =	sdelay $0x2  }
0x77: {  	v6 =	vadd.s32 v2, v6  }
0x78: {  	v6 =	vnsel vm13, $0x0, v6  }
0x79: {  	[tilespmem:$0x9E10] =	vst v6;
	v7 =	vnsel vm13, $0x2710, v7  }
0x7a: {  	[tilespmem:$0x9E90] =	vst v7  }
0x7b: {  	v6 =	vld [tilespmem:s31+$0x0];
	_ =	sdelay $0x1  }
0x7c: {  	s4 =	sadd.s32 $0x20, s30  }
0x7d: {  	v7 =	vor.u32 s4, v3  }
0x7e: {  	vm14 =	vlt.s32 v7, v5  }
0x7f: {  	v7 =	vnsel vm14, $0x0, v6;
	_ =	sdelay $0x4  }
0x80: {  	v7 =	vld.idx.msk [tilespmem:v7+s3+$0x0], $0xffff;
	_ =	sdelay $0x2  }
0x81: {  	v6 =	vadd.s32 v2, v6  }
0x82: {  	v6 =	vnsel vm14, $0x0, v6  }
0x83: {  	[tilespmem:$0x9E20] =	vst v6;
	v7 =	vnsel vm14, $0x2710, v7  }
0x84: {  	[tilespmem:$0x9EA0] =	vst v7  }
0x85: {  	v6 =	vld [tilespmem:s31+$0x10];
	_ =	sdelay $0x1  }
0x86: {  	s4 =	sadd.s32 $0x30, s30  }
0x87: {  	v7 =	vor.u32 s4, v3  }
0x88: {  	vm15 =	vlt.s32 v7, v5  }
0x89: {  	v7 =	vnsel vm15, $0x0, v6;
	_ =	sdelay $0x4  }
0x8a: {  	v7 =	vld.idx.msk [tilespmem:v7+s3+$0x0], $0xffff;
	_ =	sdelay $0x2  }
0x8b: {  	v6 =	vadd.s32 v2, v6  }
0x8c: {  	v6 =	vnsel vm15, $0x0, v6  }
0x8d: {  	[tilespmem:$0x9E30] =	vst v6;
	v7 =	vnsel vm15, $0x2710, v7  }
0x8e: {  	[tilespmem:$0x9EB0] =	vst v7  }
0x8f: {  	[tilespmem:s22], [sflag:$0x1] =	stream.indirect.gather [hbm4b:s1+s20], $0x80, s21, s20, $0xb8;
	[tilespmem:$0x1FB00] =	vst v63  }
0x90: {  	_ =	swait.ge [sflag:s19], $0x2000  }
0x91: {  	p1 =	sne.s32 s29, $0x1;
	[sflag:s19] =	ssyncset.done $0x0  }
.Ltmp4:
0x92: {  	[sflag:s19] =	ssyncadd.s32 $0xFFFFE000;
	(pc) =	sbr.rel @p1 .LBB2_5-.Ltmp4, $4  }
0x93: {  	[spmem:s2] =	stream.indirect.scatter.add.f32 [tilespmem:s22], [sflag:$0x2], $0x80, s23, s20, $0xb8;
	[tilespmem:$0x1FB00] =	vst v63  }
0x94: {  	_ =	swait.ge [sflag:s16], $0x2000  }
0x95: {  	s29 =	sadd.s32 $0xFFFFFFFF, s29;
	[sflag:s16] =	ssyncset.done $0x0  }
0x96: {  	s30 =	sadd.s32 $0x40, s30;
	s31 =	sadd.s32 $0x40, s31;
	[sflag:s16] =	ssyncadd.s32 $0xFFFFE000  }
.LBB2_6:
0x97: {  	[bflag:$0x0] =	sbarrier.arrive $0xFFFF;
	s30 =	sshrl.u32 s9, $0x3  }
0x98: {  	[hbm:s10], [sflag:s25] =	dma.local [spmem:s30], $0x2700  }
0x99: {  	_ =	swait.ge [sflag:s16], $0x2700  }
0x9a: {  	[sflag:s16] =	ssyncset.done $0x0  }
0x9b: {  	s31 =	sshrl.u32 @!p0 s11, $0x3;
	s29 =	simm.s32 @!p0 $0x2;
	[sflag:s16] =	ssyncadd.s32 $0xFFFFD900  }
0x9c: {  	[hbm:s12], [sflag:s25] =	dma.local @!p0 [spmem:s31], $0x100  }
0x9d: {  	_ =	swait.ge @!p0 [sflag:s29], $0x100  }
0x9e: {  	[sflag:s29] =	ssyncset.done @!p0 $0x0  }
0x9f: {  	[sflag:s29] =	ssyncadd.s32 @!p0 $0xFFFFFF00  }
0xa0: {  	s0 =	sadd.s32 $0x3F, s26;
	[bflag:$0x0] =	sbarrier.arrive $0xFFFF  }
0xa1: {  	[spmem:s28], [sflag:s25] =	dma.local [hbm:s5], $0x2780  }
0xa2: {  	s28 =	sand.u32 $0x3F, s0  }
0xa3: {  	p2 =	slt.s32 s0, $0x1;
	p1 =	sne.s32 s28, $0x0;
	s28 =	sshra.s32 s0, $0x1F  }
0xa4: {  	s28 =	sshrl.u32 s28, $0x1A;
	p1 =	por !p2, !p1  }
0xa5: {  	s0 =	sadd.s32 s28, s0;
	p1 =	por !p1, !p1;
	s28 =	simm.s32 $0x1  }
0xa6: {  	s0 =	sshra.s32 s0, $0x6;
	s28 =	simm.s32 @!p1 $0x0  }
0xa7: {  	s28 =	ssub.s32 s0, s28  }
0xa8: {  	p1 =	slt.s32 s28, $0x1  }
.Ltmp5:
0xa9: {  	_ =	swait.ge [sflag:s16], $0x2780;
	(pc) =	sbr.rel @p1 .LBB2_9-.Ltmp5, $3  }
0xaa: {  	[sflag:s16] =	ssyncset.done $0x0  }
0xab: {  	[sflag:s16] =	ssyncadd.s32 $0xFFFFD880  }
0xac: {  	[bflag:$0x0] =	sbarrier.arrive $0xFFFF;
	_ =	sdelay $0x1  }
0xad: {  	v5 =	vmov s26;
	s26 =	simm.s32 $0x0;
	s0 =	simm.s32 $0x76A0  }
.LBB2_8:
0xae: {  	v6 =	vld [tilespmem:s0+$0xFFFFFFE0];
	_ =	sdelay $0x2  }
0xaf: {  	v7 =	vor.u32 s26, v3  }
0xb0: {  	vm0 =	vlt.s32 v7, v5  }
0xb1: {  	v7 =	vnsel vm0, $0x0, v6;
	_ =	sdelay $0x4  }
0xb2: {  	v7 =	vld.idx.msk [tilespmem:v7+s3+$0x0], $0xffff;
	_ =	sdelay $0x2  }
0xb3: {  	v6 =	vadd.s32 v2, v6  }
0xb4: {  	v6 =	vnsel vm0, $0x0, v6  }
0xb5: {  	[tilespmem:$0x9E00] =	vst v6;
	v7 =	vnsel vm0, $0x2710, v7  }
0xb6: {  	[tilespmem:$0x9E80] =	vst v7  }
0xb7: {  	v6 =	vld [tilespmem:s0+$0xFFFFFFF0];
	_ =	sdelay $0x1  }
0xb8: {  	s4 =	sadd.s32 $0x10, s26  }
0xb9: {  	v7 =	vor.u32 s4, v3  }
0xba: {  	vm13 =	vlt.s32 v7, v5  }
0xbb: {  	v7 =	vnsel vm13, $0x0, v6;
	_ =	sdelay $0x4  }
0xbc: {  	v7 =	vld.idx.msk [tilespmem:v7+s3+$0x0], $0xffff;
	_ =	sdelay $0x2  }
0xbd: {  	v6 =	vadd.s32 v2, v6  }
0xbe: {  	v6 =	vnsel vm13, $0x0, v6  }
0xbf: {  	[tilespmem:$0x9E10] =	vst v6;
	v7 =	vnsel vm13, $0x2710, v7  }
0xc0: {  	[tilespmem:$0x9E90] =	vst v7  }
0xc1: {  	v6 =	vld [tilespmem:s0+$0x0];
	_ =	sdelay $0x1  }
0xc2: {  	s4 =	sadd.s32 $0x20, s26  }
0xc3: {  	v7 =	vor.u32 s4, v3  }
0xc4: {  	vm14 =	vlt.s32 v7, v5  }
0xc5: {  	v7 =	vnsel vm14, $0x0, v6;
	_ =	sdelay $0x4  }
0xc6: {  	v7 =	vld.idx.msk [tilespmem:v7+s3+$0x0], $0xffff;
	_ =	sdelay $0x2  }
0xc7: {  	v6 =	vadd.s32 v2, v6  }
0xc8: {  	v6 =	vnsel vm14, $0x0, v6  }
0xc9: {  	[tilespmem:$0x9E20] =	vst v6;
	v7 =	vnsel vm14, $0x2710, v7  }
0xca: {  	[tilespmem:$0x9EA0] =	vst v7  }
0xcb: {  	v6 =	vld [tilespmem:s0+$0x10];
	_ =	sdelay $0x1  }
0xcc: {  	s4 =	sadd.s32 $0x30, s26  }
0xcd: {  	v7 =	vor.u32 s4, v3  }
0xce: {  	vm15 =	vlt.s32 v7, v5  }
0xcf: {  	v7 =	vnsel vm15, $0x0, v6;
	_ =	sdelay $0x4  }
0xd0: {  	v7 =	vld.idx.msk [tilespmem:v7+s3+$0x0], $0xffff;
	_ =	sdelay $0x2  }
0xd1: {  	v6 =	vadd.s32 v2, v6  }
0xd2: {  	v6 =	vnsel vm15, $0x0, v6  }
0xd3: {  	[tilespmem:$0x9E30] =	vst v6;
	v7 =	vnsel vm15, $0x2710, v7  }
0xd4: {  	[tilespmem:$0x9EB0] =	vst v7  }
0xd5: {  	[tilespmem:s22], [sflag:$0x1] =	stream.indirect.gather [hbm4b:s1+s20], $0x80, s21, s20, $0xb8;
	[tilespmem:$0x1FB00] =	vst v63  }
0xd6: {  	_ =	swait.ge [sflag:s19], $0x2000  }
0xd7: {  	p1 =	sne.s32 s28, $0x1;
	[sflag:s19] =	ssyncset.done $0x0  }
.Ltmp6:
0xd8: {  	[sflag:s19] =	ssyncadd.s32 $0xFFFFE000;
	(pc) =	sbr.rel @p1 .LBB2_8-.Ltmp6, $4  }
0xd9: {  	[spmem:s2] =	stream.indirect.scatter.add.f32 [tilespmem:s22], [sflag:$0x2], $0x80, s23, s20, $0xb8;
	[tilespmem:$0x1FB00] =	vst v63  }
0xda: {  	_ =	swait.ge [sflag:s16], $0x2000  }
0xdb: {  	s28 =	sadd.s32 $0xFFFFFFFF, s28;
	[sflag:s16] =	ssyncset.done $0x0  }
0xdc: {  	s26 =	sadd.s32 $0x40, s26;
	s0 =	sadd.s32 $0x40, s0;
	[sflag:s16] =	ssyncadd.s32 $0xFFFFE000  }
.Ltmp7:
0xdd: {  	_ = 	snop;
	(pc) =	sbr.rel .LBB2_9-.Ltmp7, $1  }
0xde: {  	_ =	sdelay $0x3  }
.LBB2_10:
0xdf: {  	_ =	sfence.sel $0x180000  }
0xe0: {  	[bflag:$0x0] =	sbarrier.arrive $0xFFFF  }
0xe1: {  	_ =	strace $0x90000047  }
0xe2: {  	[bflag:$0x2] =	sbarrier.arrive $0xFFFF  }
0xe3: {  	s0 =	rddreg [dreg:$0x5]  }
0xe4: {  	s0 =	sadd.s32 @!p0 $0x100000, s0  }
0xe5: {  	[sflag:s0] =	ssyncadd.tile.s32 @!p0 $0x1;
	_ =	shalt  }
.Lfunc_end2:
_tile_overlayer_lowered:
.L_overlay_start_2:
0xe6: {  	(tag) =	ssettag $0x2  }
0xe7: {  	s0 =	rddreg [dreg:$0x0];
	s2 =	stileid.u32  }
0xe8: {  	s1 =	rddreg [dreg:$0x1];
	p0 =	sne.s32 s2, $0x0  }
0xe9: {  	s3 =	rddreg [dreg:$0x2];
	[bflag:$0x3] =	sbarrier.arrive $0xFFFF;
	s2 =	simm.s32 @!p0 $0x1C02  }
0xea: {  	[timem:s3], [sflag:s2] =	dma.local @!p0 [hbm:s0], s1  }
0xeb: {  	s0 =	simm.s32 @!p0 $0x2  }
0xec: {  	_ =	swait.ge @!p0 [sflag:s0], s1  }
0xed: {  	s1 =	ssub.s32 @!p0 $0x0, s1;
	[sflag:s0] =	ssyncset.done @!p0 $0x0  }
0xee: {  	[sflag:s0] =	ssyncadd.s32 @!p0 s1  }
0xef: {  	[bflag:$0x3] =	sbarrier.arrive $0xFFFF  }
0xf0: {  	_ =	shalt  }

</sc_bundles>
